<compile_context>
chip_gen: v7x
topology: tpu7x:2x2x1
jax: 0.10.2.dev20260603
libtpu: 0.0.44.dev20260713+nightly
codegen_flags: <defaults>
</compile_context>

<pallas_src>
import jax
import jax.numpy as jnp
from jax import lax
from jax.experimental import pallas as pl
from jax.experimental.pallas import tpu as pltpu
from jax.experimental.pallas import tpu_sc as plsc

N = 5000
NMS_THRESH = 0.5
SCORE_THRESH = 0.05
DETS_PER_IMG = 100

L = 16
KMAX = 5008
BOXPAD = 4 * N + L
SPAD = N + L
OUTB_PAD = 512
OUTS_PAD = 128


CB = 50
NBLK = N // CB

_GDN = lax.GatherDimensionNumbers(offset_dims=(), collapsed_slice_dims=(0,),
                                  start_index_map=(0,))


def _vbcast(v, k):
    idx = jnp.full((L, 1), k, jnp.int32)
    return lax.gather(v, idx, _GDN, slice_sizes=(1,),
                      mode=lax.GatherScatterMode.PROMISE_IN_BOUNDS)


def _nms_body(boxes_hbm, scores_hbm, order_hbm, outb_hbm, outs_hbm,
              boxes_v, scores_v, order_v,
              kx0, ky0, kx1, ky1, karea,
              outb_v, outs_v, kcnt_s, ocnt_s, sem_b, sem_s, sem_o):
    cid = lax.axis_index("c")
    sid = lax.axis_index("s")

    @pl.when(jnp.logical_and(cid == 0, sid == 0))
    def _():
        cp_b = pltpu.async_copy(boxes_hbm, boxes_v.at[pl.ds(0, 4 * N)], sem_b)
        cp_s = pltpu.async_copy(scores_hbm, scores_v.at[pl.ds(0, N)], sem_s)
        cp_o = pltpu.async_copy(order_hbm, order_v.at[pl.ds(0, N)], sem_o)

        zv = jnp.zeros((L,), jnp.float32)
        lane = lax.iota(jnp.int32, L)
        lane0 = lane == 0
        for j in range(OUTB_PAD // L):
            outb_v[pl.ds(j * L, L)] = zv
        for j in range(OUTS_PAD // L):
            outs_v[pl.ds(j * L, L)] = zv
        kcnt_s[0] = jnp.int32(0)
        ocnt_s[0] = jnp.int32(0)
        cp_b.wait()
        cp_s.wait()
        cp_o.wait()

        def candidate(ci, bi):
            i = bi * CB + ci
            kc = kcnt_s[0]
            co = ocnt_s[0]
            active = co < DETS_PER_IMG

            oi = order_v[pl.ds(i, L)][0]
            bv = boxes_v[pl.ds(4 * oi, L)]
            s = scores_v[pl.ds(oi, L)][0]

            bx0 = _vbcast(bv, 0)
            by0 = _vbcast(bv, 1)
            bx1 = _vbcast(bv, 2)
            by1 = _vbcast(bv, 3)
            barea = (bx1 - bx0) * (by1 - by0)

            nk = jnp.where(active, (kc + (L - 1)) >> 4, 0)

            def chunk(j, miou):
                base = j * L
                vx0 = kx0[pl.ds(base, L)]
                vy0 = ky0[pl.ds(base, L)]
                vx1 = kx1[pl.ds(base, L)]
                vy1 = ky1[pl.ds(base, L)]
                va = karea[pl.ds(base, L)]
                w = jnp.maximum(jnp.minimum(bx1, vx1) - jnp.maximum(bx0, vx0),
                                0.0)
                h = jnp.maximum(jnp.minimum(by1, vy1) - jnp.maximum(by0, vy0),
                                0.0)
                inter = w * h
                union = jnp.maximum(barea + va - inter, 1e-9)
                return jnp.maximum(miou, inter / union)

            miou = lax.fori_loop(0, nk, chunk,
                                 jnp.full((L,), -1.0, jnp.float32))
            sup = jnp.any(miou > NMS_THRESH)
            keep = jnp.logical_and(jnp.logical_not(sup), active)
            emit = jnp.logical_and(keep, s > SCORE_THRESH)

            @pl.when(keep)
            def _():
                @pl.when(jnp.bitwise_and(kc, L - 1) == 0)
                def _():
                    kx0[pl.ds(kc, L)] = zv
                    ky0[pl.ds(kc, L)] = zv
                    kx1[pl.ds(kc, L)] = zv
                    ky1[pl.ds(kc, L)] = zv
                    karea[pl.ds(kc, L)] = zv

                kcv = [jnp.full((L,), kc, jnp.int32)]
                plsc.store_scatter(kx0, kcv, bx0, mask=lane0)
                plsc.store_scatter(ky0, kcv, by0, mask=lane0)
                plsc.store_scatter(kx1, kcv, bx1, mask=lane0)
                plsc.store_scatter(ky1, kcv, by1, mask=lane0)
                plsc.store_scatter(karea, kcv, barea, mask=lane0)
                kcnt_s[0] = kc + 1

            @pl.when(emit)
            def _():
                plsc.store_scatter(outb_v, [4 * co + lane], bv,
                                   mask=lane < 4)
                plsc.store_scatter(outs_v, [jnp.full((L,), co, jnp.int32)],
                                   jnp.full((L,), s, jnp.float32),
                                   mask=lane0)
                ocnt_s[0] = co + 1

            return bi

        def block(bi, carry):
            @pl.when(ocnt_s[0] < DETS_PER_IMG)
            def _():
                lax.fori_loop(0, CB, candidate, bi)

            return carry

        lax.fori_loop(0, NBLK, block, jnp.int32(0))

        pltpu.sync_copy(outb_v, outb_hbm)
        pltpu.sync_copy(outs_v, outs_hbm)


@jax.jit
def kernel(boxes, scores):
    order = jnp.argsort(-scores).astype(jnp.int32)
    mesh = plsc.VectorSubcoreMesh(core_axis_name="c", subcore_axis_name="s",
                                  num_cores=1, num_subcores=1)
    nms = pl.kernel(
        _nms_body,
        out_type=(
            jax.ShapeDtypeStruct((OUTB_PAD,), jnp.float32),
            jax.ShapeDtypeStruct((OUTS_PAD,), jnp.float32),
        ),
        mesh=mesh,
        compiler_params=pltpu.CompilerParams(needs_layout_passes=False),
        scratch_types=[
            pltpu.VMEM((BOXPAD,), jnp.float32),
            pltpu.VMEM((SPAD,), jnp.float32),
            pltpu.VMEM((SPAD,), jnp.int32),
            pltpu.VMEM((KMAX,), jnp.float32),
            pltpu.VMEM((KMAX,), jnp.float32),
            pltpu.VMEM((KMAX,), jnp.float32),
            pltpu.VMEM((KMAX,), jnp.float32),
            pltpu.VMEM((KMAX,), jnp.float32),
            pltpu.VMEM((OUTB_PAD,), jnp.float32),
            pltpu.VMEM((OUTS_PAD,), jnp.float32),
            pltpu.SMEM((1,), jnp.int32),
            pltpu.SMEM((1,), jnp.int32),
            pltpu.SemaphoreType.DMA,
            pltpu.SemaphoreType.DMA,
            pltpu.SemaphoreType.DMA,
        ],
    )
    outb_flat, outs = nms(boxes.reshape(-1), scores, order)
    out_boxes = outb_flat[: 4 * DETS_PER_IMG].reshape(DETS_PER_IMG, 4)
    out_scores = outs[:DETS_PER_IMG]
    return (out_boxes, out_scores)

# --- scband reference (transcript-rebuilt; emitter-appended) ---
"""Pipeline reference for scband-two-stage-roiheads-41644002902532 (READ-ONLY COPY).

The authoritative reference and input builder live on the scoring server;
editing this copy changes nothing except your own understanding.
"""

import jax, jax.numpy as jnp
import numpy as np

N = 5000
NMS_THRESH = 0.5
SCORE_THRESH = 0.05
DETS_PER_IMG = 100


def _pairwise_iou(a, b):
    area_a = (a[:, 2] - a[:, 0]) * (a[:, 3] - a[:, 1])
    area_b = (b[:, 2] - b[:, 0]) * (b[:, 3] - b[:, 1])
    lt = jnp.maximum(a[:, None, :2], b[None, :, :2])
    rb = jnp.minimum(a[:, None, 2:], b[None, :, 2:])
    wh = jnp.clip(rb - lt, 0.0, None)
    inter = wh[..., 0] * wh[..., 1]
    union = area_a[:, None] + area_b[None, :] - inter
    return inter / jnp.maximum(union, 1e-9)


def _nms_keep(iou, s):
    n = iou.shape[0]
    idx = jnp.arange(n)

    def body(i, keep):
        sup = jnp.any(keep & (iou[i] > NMS_THRESH) & (idx < i))
        return keep.at[i].set(jnp.logical_not(sup))

    keep = jax.lax.fori_loop(0, n, body, jnp.ones((n,), dtype=bool))
    return keep & (s > SCORE_THRESH)


def setup_inputs(seed: int = 0):
    key = jax.random.key(seed)
    k1, k2 = jax.random.split(key, 2)
    raw = jax.random.uniform(k1, (N, 4), dtype=jnp.float32)
    cx = raw[:, 0] * 1024.0
    cy = raw[:, 1] * 1024.0
    w = raw[:, 2] * 120.0 + 4.0
    h = raw[:, 3] * 120.0 + 4.0
    boxes = jnp.stack([cx - w / 2.0, cy - h / 2.0, cx + w / 2.0, cy + h / 2.0], axis=-1)
    scores = jax.random.uniform(k2, (N,), dtype=jnp.float32)
    return {"boxes": boxes, "scores": scores}


def reference(boxes, scores):
    # fast_rcnn_inference-style post-processing of TwoStageROIHeads:
    # sort by score, pairwise IoU, greedy NMS, score threshold, keep top-K detections.
    order = jnp.argsort(-scores)
    b = jnp.take(boxes, order, axis=0)
    s = jnp.take(scores, order, axis=0)
    iou = _pairwise_iou(b, b)
    keep = _nms_keep(jax.lax.stop_gradient(iou), jax.lax.stop_gradient(s))
    masked = jnp.where(keep, jax.lax.stop_gradient(s), -jnp.inf)
    top_idx = jnp.argsort(-masked)[:DETS_PER_IMG]
    valid = keep[top_idx]
    out_scores = jnp.where(valid, jnp.take(s, top_idx), 0.0)
    out_boxes = jnp.where(valid[:, None], jnp.take(b, top_idx, axis=0), 0.0)
    return (out_boxes, out_scores)

if __name__ == "__main__":
    import jax
    _d = setup_inputs()
    print(jax.jit(kernel)(*tuple(_d.values())))

</pallas_src>

<mosaic_0001>
#map = affine_map<(d0, d1) -> (0)>
module attributes {stable_mosaic.version = 14 : i64} {
  func.func @_nms_body(%arg0: i32, %arg1: i32, %arg2: memref<20000xf32, #tpu.memory_space<hbm>>, %arg3: memref<5000xf32, #tpu.memory_space<hbm>>, %arg4: memref<5000xi32, #tpu.memory_space<hbm>>, %arg5: memref<512xf32, #tpu.memory_space<hbm>>, %arg6: memref<128xf32, #tpu.memory_space<hbm>>, %arg7: memref<20016xf32, #tpu.memory_space<vmem>>, %arg8: memref<5016xf32, #tpu.memory_space<vmem>>, %arg9: memref<5016xi32, #tpu.memory_space<vmem>>, %arg10: memref<5008xf32, #tpu.memory_space<vmem>>, %arg11: memref<5008xf32, #tpu.memory_space<vmem>>, %arg12: memref<5008xf32, #tpu.memory_space<vmem>>, %arg13: memref<5008xf32, #tpu.memory_space<vmem>>, %arg14: memref<5008xf32, #tpu.memory_space<vmem>>, %arg15: memref<512xf32, #tpu.memory_space<vmem>>, %arg16: memref<128xf32, #tpu.memory_space<vmem>>, %arg17: memref<1xi32, #tpu.memory_space<smem>>, %arg18: memref<1xi32, #tpu.memory_space<smem>>, %arg19: memref<!tpu.dma_semaphore, #tpu.memory_space<semaphore_mem>>, %arg20: memref<!tpu.dma_semaphore, #tpu.memory_space<semaphore_mem>>, %arg21: memref<!tpu.dma_semaphore, #tpu.memory_space<semaphore_mem>>) attributes {dimension_semantics = [#tpu.dimension_semantics<core_parallel>, #tpu.dimension_semantics<subcore_parallel>], iteration_bounds = array<i64: 1, 1>, scalar_prefetch = 0 : i64, scratch_operands = 15 : i64, tpu.core_type = #tpu.core_type<sc_vector_subcore>, window_params = [{transform_indices = #map}, {transform_indices = #map}, {transform_indices = #map}, {transform_indices = #map}, {transform_indices = #map}]} {
    %eq3A = arith.constant 0 : i32
    %eq3A_0 = arith.cmpi eq, %arg0, %eq3A : i32
    %eq3A_1 = arith.constant 0 : i32
    %eq3A_2 = arith.cmpi eq, %arg1, %eq3A_1 : i32
    %and3A = arith.andi %eq3A_0, %eq3A_2 : i1
    %convert_element_type3A = arith.extui %and3A : i1 to i32
    %cond3A = arith.constant 0 : i32
    %cond3A_3 = arith.cmpi ne, %convert_element_type3A, %cond3A : i32
    scf.if %cond3A_3 {
      %dma_start3A = arith.constant 0 : i32
      %dma_start3A_4 = tpu.memref_slice %arg7[%dma_start3A] : memref<20016xf32, #tpu.memory_space<vmem>> -> memref<20000xf32, #tpu.memory_space<vmem>>
      %dma_start3A_5 = arith.constant 0 : i32
      %dma_start3A_6 = tpu.memref_slice %arg7[%dma_start3A_5] : memref<20016xf32, #tpu.memory_space<vmem>> -> memref<20000xf32, #tpu.memory_space<vmem>>
      tpu.enqueue_dma source(%arg2 : memref<20000xf32, #tpu.memory_space<hbm>>) target(%dma_start3A_6 : memref<20000xf32, #tpu.memory_space<vmem>>) target_semaphore(%arg19 : memref<!tpu.dma_semaphore, #tpu.memory_space<semaphore_mem>>)
      %dma_start3A_7 = arith.constant 0 : i32
      %dma_start3A_8 = tpu.memref_slice %arg8[%dma_start3A_7] : memref<5016xf32, #tpu.memory_space<vmem>> -> memref<5000xf32, #tpu.memory_space<vmem>>
      %dma_start3A_9 = arith.constant 0 : i32
      %dma_start3A_10 = tpu.memref_slice %arg8[%dma_start3A_9] : memref<5016xf32, #tpu.memory_space<vmem>> -> memref<5000xf32, #tpu.memory_space<vmem>>
      tpu.enqueue_dma source(%arg3 : memref<5000xf32, #tpu.memory_space<hbm>>) target(%dma_start3A_10 : memref<5000xf32, #tpu.memory_space<vmem>>) target_semaphore(%arg20 : memref<!tpu.dma_semaphore, #tpu.memory_space<semaphore_mem>>)
      %dma_start3A_11 = arith.constant 0 : i32
      %dma_start3A_12 = tpu.memref_slice %arg9[%dma_start3A_11] : memref<5016xi32, #tpu.memory_space<vmem>> -> memref<5000xi32, #tpu.memory_space<vmem>>
      %dma_start3A_13 = arith.constant 0 : i32
      %dma_start3A_14 = tpu.memref_slice %arg9[%dma_start3A_13] : memref<5016xi32, #tpu.memory_space<vmem>> -> memref<5000xi32, #tpu.memory_space<vmem>>
      tpu.enqueue_dma source(%arg4 : memref<5000xi32, #tpu.memory_space<hbm>>) target(%dma_start3A_14 : memref<5000xi32, #tpu.memory_space<vmem>>) target_semaphore(%arg21 : memref<!tpu.dma_semaphore, #tpu.memory_space<semaphore_mem>>)
      %broadcast_in_dim3A = arith.constant 0.000000e+00 : f32
      %broadcast_in_dim3A_15 = vector.broadcast %broadcast_in_dim3A : f32 to vector<16xf32>
      %iota3A = tpu.iota {dimensions = array<i32: 0>} : vector<16xi32>
      %eq3A_16 = arith.constant 0 : i32
      %eq3A_17 = vector.broadcast %eq3A_16 : i32 to vector<16xi32>
      %eq3A_18 = arith.cmpi eq, %iota3A, %eq3A_17 : vector<16xi32>
      %swap3A = arith.constant 0 : index
      %swap3A_19 = tpu.vector_load %arg15[%swap3A] {strides = array<i32>} : memref<512xf32, #tpu.memory_space<vmem>>, vector<16xf32>,
      tpu.vector_store %arg15[%swap3A], %broadcast_in_dim3A_15 {strides = array<i32>} : memref<512xf32, #tpu.memory_space<vmem>>, vector<16xf32>,
      %swap3A_20 = arith.constant 16 : index
      %swap3A_21 = tpu.vector_load %arg15[%swap3A_20] {strides = array<i32>} : memref<512xf32, #tpu.memory_space<vmem>>, vector<16xf32>,
      tpu.vector_store %arg15[%swap3A_20], %broadcast_in_dim3A_15 {strides = array<i32>} : memref<512xf32, #tpu.memory_space<vmem>>, vector<16xf32>,
      %swap3A_22 = arith.constant 32 : index
      %swap3A_23 = tpu.vector_load %arg15[%swap3A_22] {strides = array<i32>} : memref<512xf32, #tpu.memory_space<vmem>>, vector<16xf32>,
      tpu.vector_store %arg15[%swap3A_22], %broadcast_in_dim3A_15 {strides = array<i32>} : memref<512xf32, #tpu.memory_space<vmem>>, vector<16xf32>,
      %swap3A_24 = arith.constant 48 : index
      %swap3A_25 = tpu.vector_load %arg15[%swap3A_24] {strides = array<i32>} : memref<512xf32, #tpu.memory_space<vmem>>, vector<16xf32>,
      tpu.vector_store %arg15[%swap3A_24], %broadcast_in_dim3A_15 {strides = array<i32>} : memref<512xf32, #tpu.memory_space<vmem>>, vector<16xf32>,
      %swap3A_26 = arith.constant 64 : index
      %swap3A_27 = tpu.vector_load %arg15[%swap3A_26] {strides = array<i32>} : memref<512xf32, #tpu.memory_space<vmem>>, vector<16xf32>,
      tpu.vector_store %arg15[%swap3A_26], %broadcast_in_dim3A_15 {strides = array<i32>} : memref<512xf32, #tpu.memory_space<vmem>>, vector<16xf32>,
      %swap3A_28 = arith.constant 80 : index
      %swap3A_29 = tpu.vector_load %arg15[%swap3A_28] {strides = array<i32>} : memref<512xf32, #tpu.memory_space<vmem>>, vector<16xf32>,
      tpu.vector_store %arg15[%swap3A_28], %broadcast_in_dim3A_15 {strides = array<i32>} : memref<512xf32, #tpu.memory_space<vmem>>, vector<16xf32>,
      %swap3A_30 = arith.constant 96 : index
      %swap3A_31 = tpu.vector_load %arg15[%swap3A_30] {strides = array<i32>} : memref<512xf32, #tpu.memory_space<vmem>>, vector<16xf32>,
      tpu.vector_store %arg15[%swap3A_30], %broadcast_in_dim3A_15 {strides = array<i32>} : memref<512xf32, #tpu.memory_space<vmem>>, vector<16xf32>,
      %swap3A_32 = arith.constant 112 : index
      %swap3A_33 = tpu.vector_load %arg15[%swap3A_32] {strides = array<i32>} : memref<512xf32, #tpu.memory_space<vmem>>, vector<16xf32>,
      tpu.vector_store %arg15[%swap3A_32], %broadcast_in_dim3A_15 {strides = array<i32>} : memref<512xf32, #tpu.memory_space<vmem>>, vector<16xf32>,
      %swap3A_34 = arith.constant 128 : index
      %swap3A_35 = tpu.vector_load %arg15[%swap3A_34] {strides = array<i32>} : memref<512xf32, #tpu.memory_space<vmem>>, vector<16xf32>,
      tpu.vector_store %arg15[%swap3A_34], %broadcast_in_dim3A_15 {strides = array<i32>} : memref<512xf32, #tpu.memory_space<vmem>>, vector<16xf32>,
      %swap3A_36 = arith.constant 144 : index
      %swap3A_37 = tpu.vector_load %arg15[%swap3A_36] {strides = array<i32>} : memref<512xf32, #tpu.memory_space<vmem>>, vector<16xf32>,
      tpu.vector_store %arg15[%swap3A_36], %broadcast_in_dim3A_15 {strides = array<i32>} : memref<512xf32, #tpu.memory_space<vmem>>, vector<16xf32>,
      %swap3A_38 = arith.constant 160 : index
      %swap3A_39 = tpu.vector_load %arg15[%swap3A_38] {strides = array<i32>} : memref<512xf32, #tpu.memory_space<vmem>>, vector<16xf32>,
      tpu.vector_store %arg15[%swap3A_38], %broadcast_in_dim3A_15 {strides = array<i32>} : memref<512xf32, #tpu.memory_space<vmem>>, vector<16xf32>,
      %swap3A_40 = arith.constant 176 : index
      %swap3A_41 = tpu.vector_load %arg15[%swap3A_40] {strides = array<i32>} : memref<512xf32, #tpu.memory_space<vmem>>, vector<16xf32>,
      tpu.vector_store %arg15[%swap3A_40], %broadcast_in_dim3A_15 {strides = array<i32>} : memref<512xf32, #tpu.memory_space<vmem>>, vector<16xf32>,
      %swap3A_42 = arith.constant 192 : index
      %swap3A_43 = tpu.vector_load %arg15[%swap3A_42] {strides = array<i32>} : memref<512xf32, #tpu.memory_space<vmem>>, vector<16xf32>,
      tpu.vector_store %arg15[%swap3A_42], %broadcast_in_dim3A_15 {strides = array<i32>} : memref<512xf32, #tpu.memory_space<vmem>>, vector<16xf32>,
      %swap3A_44 = arith.constant 208 : index
      %swap3A_45 = tpu.vector_load %arg15[%swap3A_44] {strides = array<i32>} : memref<512xf32, #tpu.memory_space<vmem>>, vector<16xf32>,
      tpu.vector_store %arg15[%swap3A_44], %broadcast_in_dim3A_15 {strides = array<i32>} : memref<512xf32, #tpu.memory_space<vmem>>, vector<16xf32>,
      %swap3A_46 = arith.constant 224 : index
      %swap3A_47 = tpu.vector_load %arg15[%swap3A_46] {strides = array<i32>} : memref<512xf32, #tpu.memory_space<vmem>>, vector<16xf32>,
      tpu.vector_store %arg15[%swap3A_46], %broadcast_in_dim3A_15 {strides = array<i32>} : memref<512xf32, #tpu.memory_space<vmem>>, vector<16xf32>,
      %swap3A_48 = arith.constant 240 : index
      %swap3A_49 = tpu.vector_load %arg15[%swap3A_48] {strides = array<i32>} : memref<512xf32, #tpu.memory_space<vmem>>, vector<16xf32>,
      tpu.vector_store %arg15[%swap3A_48], %broadcast_in_dim3A_15 {strides = array<i32>} : memref<512xf32, #tpu.memory_space<vmem>>, vector<16xf32>,
      %swap3A_50 = arith.constant 256 : index
      %swap3A_51 = tpu.vector_load %arg15[%swap3A_50] {strides = array<i32>} : memref<512xf32, #tpu.memory_space<vmem>>, vector<16xf32>,
      tpu.vector_store %arg15[%swap3A_50], %broadcast_in_dim3A_15 {strides = array<i32>} : memref<512xf32, #tpu.memory_space<vmem>>, vector<16xf32>,
      %swap3A_52 = arith.constant 272 : index
      %swap3A_53 = tpu.vector_load %arg15[%swap3A_52] {strides = array<i32>} : memref<512xf32, #tpu.memory_space<vmem>>, vector<16xf32>,
      tpu.vector_store %arg15[%swap3A_52], %broadcast_in_dim3A_15 {strides = array<i32>} : memref<512xf32, #tpu.memory_space<vmem>>, vector<16xf32>,
      %swap3A_54 = arith.constant 288 : index
      %swap3A_55 = tpu.vector_load %arg15[%swap3A_54] {strides = array<i32>} : memref<512xf32, #tpu.memory_space<vmem>>, vector<16xf32>,
      tpu.vector_store %arg15[%swap3A_54], %broadcast_in_dim3A_15 {strides = array<i32>} : memref<512xf32, #tpu.memory_space<vmem>>, vector<16xf32>,
      %swap3A_56 = arith.constant 304 : index
      %swap3A_57 = tpu.vector_load %arg15[%swap3A_56] {strides = array<i32>} : memref<512xf32, #tpu.memory_space<vmem>>, vector<16xf32>,
      tpu.vector_store %arg15[%swap3A_56], %broadcast_in_dim3A_15 {strides = array<i32>} : memref<512xf32, #tpu.memory_space<vmem>>, vector<16xf32>,
      %swap3A_58 = arith.constant 320 : index
      %swap3A_59 = tpu.vector_load %arg15[%swap3A_58] {strides = array<i32>} : memref<512xf32, #tpu.memory_space<vmem>>, vector<16xf32>,
      tpu.vector_store %arg15[%swap3A_58], %broadcast_in_dim3A_15 {strides = array<i32>} : memref<512xf32, #tpu.memory_space<vmem>>, vector<16xf32>,
      %swap3A_60 = arith.constant 336 : index
      %swap3A_61 = tpu.vector_load %arg15[%swap3A_60] {strides = array<i32>} : memref<512xf32, #tpu.memory_space<vmem>>, vector<16xf32>,
      tpu.vector_store %arg15[%swap3A_60], %broadcast_in_dim3A_15 {strides = array<i32>} : memref<512xf32, #tpu.memory_space<vmem>>, vector<16xf32>,
      %swap3A_62 = arith.constant 352 : index
      %swap3A_63 = tpu.vector_load %arg15[%swap3A_62] {strides = array<i32>} : memref<512xf32, #tpu.memory_space<vmem>>, vector<16xf32>,
      tpu.vector_store %arg15[%swap3A_62], %broadcast_in_dim3A_15 {strides = array<i32>} : memref<512xf32, #tpu.memory_space<vmem>>, vector<16xf32>,
      %swap3A_64 = arith.constant 368 : index
      %swap3A_65 = tpu.vector_load %arg15[%swap3A_64] {strides = array<i32>} : memref<512xf32, #tpu.memory_space<vmem>>, vector<16xf32>,
      tpu.vector_store %arg15[%swap3A_64], %broadcast_in_dim3A_15 {strides = array<i32>} : memref<512xf32, #tpu.memory_space<vmem>>, vector<16xf32>,
      %swap3A_66 = arith.constant 384 : index
      %swap3A_67 = tpu.vector_load %arg15[%swap3A_66] {strides = array<i32>} : memref<512xf32, #tpu.memory_space<vmem>>, vector<16xf32>,
      tpu.vector_store %arg15[%swap3A_66], %broadcast_in_dim3A_15 {strides = array<i32>} : memref<512xf32, #tpu.memory_space<vmem>>, vector<16xf32>,
      %swap3A_68 = arith.constant 400 : index
      %swap3A_69 = tpu.vector_load %arg15[%swap3A_68] {strides = array<i32>} : memref<512xf32, #tpu.memory_space<vmem>>, vector<16xf32>,
      tpu.vector_store %arg15[%swap3A_68], %broadcast_in_dim3A_15 {strides = array<i32>} : memref<512xf32, #tpu.memory_space<vmem>>, vector<16xf32>,
      %swap3A_70 = arith.constant 416 : index
      %swap3A_71 = tpu.vector_load %arg15[%swap3A_70] {strides = array<i32>} : memref<512xf32, #tpu.memory_space<vmem>>, vector<16xf32>,
      tpu.vector_store %arg15[%swap3A_70], %broadcast_in_dim3A_15 {strides = array<i32>} : memref<512xf32, #tpu.memory_space<vmem>>, vector<16xf32>,
      %swap3A_72 = arith.constant 432 : index
      %swap3A_73 = tpu.vector_load %arg15[%swap3A_72] {strides = array<i32>} : memref<512xf32, #tpu.memory_space<vmem>>, vector<16xf32>,
      tpu.vector_store %arg15[%swap3A_72], %broadcast_in_dim3A_15 {strides = array<i32>} : memref<512xf32, #tpu.memory_space<vmem>>, vector<16xf32>,
      %swap3A_74 = arith.constant 448 : index
      %swap3A_75 = tpu.vector_load %arg15[%swap3A_74] {strides = array<i32>} : memref<512xf32, #tpu.memory_space<vmem>>, vector<16xf32>,
      tpu.vector_store %arg15[%swap3A_74], %broadcast_in_dim3A_15 {strides = array<i32>} : memref<512xf32, #tpu.memory_space<vmem>>, vector<16xf32>,
      %swap3A_76 = arith.constant 464 : index
      %swap3A_77 = tpu.vector_load %arg15[%swap3A_76] {strides = array<i32>} : memref<512xf32, #tpu.memory_space<vmem>>, vector<16xf32>,
      tpu.vector_store %arg15[%swap3A_76], %broadcast_in_dim3A_15 {strides = array<i32>} : memref<512xf32, #tpu.memory_space<vmem>>, vector<16xf32>,
      %swap3A_78 = arith.constant 480 : index
      %swap3A_79 = tpu.vector_load %arg15[%swap3A_78] {strides = array<i32>} : memref<512xf32, #tpu.memory_space<vmem>>, vector<16xf32>,
      tpu.vector_store %arg15[%swap3A_78], %broadcast_in_dim3A_15 {strides = array<i32>} : memref<512xf32, #tpu.memory_space<vmem>>, vector<16xf32>,
      %swap3A_80 = arith.constant 496 : index
      %swap3A_81 = tpu.vector_load %arg15[%swap3A_80] {strides = array<i32>} : memref<512xf32, #tpu.memory_space<vmem>>, vector<16xf32>,
      tpu.vector_store %arg15[%swap3A_80], %broadcast_in_dim3A_15 {strides = array<i32>} : memref<512xf32, #tpu.memory_space<vmem>>, vector<16xf32>,
      %swap3A_82 = arith.constant 0 : index
      %swap3A_83 = tpu.vector_load %arg16[%swap3A_82] {strides = array<i32>} : memref<128xf32, #tpu.memory_space<vmem>>, vector<16xf32>,
      tpu.vector_store %arg16[%swap3A_82], %broadcast_in_dim3A_15 {strides = array<i32>} : memref<128xf32, #tpu.memory_space<vmem>>, vector<16xf32>,
      %swap3A_84 = arith.constant 16 : index
      %swap3A_85 = tpu.vector_load %arg16[%swap3A_84] {strides = array<i32>} : memref<128xf32, #tpu.memory_space<vmem>>, vector<16xf32>,
      tpu.vector_store %arg16[%swap3A_84], %broadcast_in_dim3A_15 {strides = array<i32>} : memref<128xf32, #tpu.memory_space<vmem>>, vector<16xf32>,
      %swap3A_86 = arith.constant 32 : index
      %swap3A_87 = tpu.vector_load %arg16[%swap3A_86] {strides = array<i32>} : memref<128xf32, #tpu.memory_space<vmem>>, vector<16xf32>,
      tpu.vector_store %arg16[%swap3A_86], %broadcast_in_dim3A_15 {strides = array<i32>} : memref<128xf32, #tpu.memory_space<vmem>>, vector<16xf32>,
      %swap3A_88 = arith.constant 48 : index
      %swap3A_89 = tpu.vector_load %arg16[%swap3A_88] {strides = array<i32>} : memref<128xf32, #tpu.memory_space<vmem>>, vector<16xf32>,
      tpu.vector_store %arg16[%swap3A_88], %broadcast_in_dim3A_15 {strides = array<i32>} : memref<128xf32, #tpu.memory_space<vmem>>, vector<16xf32>,
      %swap3A_90 = arith.constant 64 : index
      %swap3A_91 = tpu.vector_load %arg16[%swap3A_90] {strides = array<i32>} : memref<128xf32, #tpu.memory_space<vmem>>, vector<16xf32>,
      tpu.vector_store %arg16[%swap3A_90], %broadcast_in_dim3A_15 {strides = array<i32>} : memref<128xf32, #tpu.memory_space<vmem>>, vector<16xf32>,
      %swap3A_92 = arith.constant 80 : index
      %swap3A_93 = tpu.vector_load %arg16[%swap3A_92] {strides = array<i32>} : memref<128xf32, #tpu.memory_space<vmem>>, vector<16xf32>,
      tpu.vector_store %arg16[%swap3A_92], %broadcast_in_dim3A_15 {strides = array<i32>} : memref<128xf32, #tpu.memory_space<vmem>>, vector<16xf32>,
      %swap3A_94 = arith.constant 96 : index
      %swap3A_95 = tpu.vector_load %arg16[%swap3A_94] {strides = array<i32>} : memref<128xf32, #tpu.memory_space<vmem>>, vector<16xf32>,
      tpu.vector_store %arg16[%swap3A_94], %broadcast_in_dim3A_15 {strides = array<i32>} : memref<128xf32, #tpu.memory_space<vmem>>, vector<16xf32>,
      %swap3A_96 = arith.constant 112 : index
      %swap3A_97 = tpu.vector_load %arg16[%swap3A_96] {strides = array<i32>} : memref<128xf32, #tpu.memory_space<vmem>>, vector<16xf32>,
      tpu.vector_store %arg16[%swap3A_96], %broadcast_in_dim3A_15 {strides = array<i32>} : memref<128xf32, #tpu.memory_space<vmem>>, vector<16xf32>,
      %swap3A_98 = arith.constant 0 : i32
      %swap3A_99 = arith.constant 0 : i32
      %swap3A_100 = arith.index_cast %swap3A_99 : i32 to index
      %swap3A_101 = memref.load %arg17[%swap3A_100] : memref<1xi32, #tpu.memory_space<smem>>
      memref.store %swap3A_98, %arg17[%swap3A_100] : memref<1xi32, #tpu.memory_space<smem>>
      %swap3A_102 = arith.constant 0 : i32
      %swap3A_103 = arith.constant 0 : i32
      %swap3A_104 = arith.index_cast %swap3A_103 : i32 to index
      %swap3A_105 = memref.load %arg18[%swap3A_104] : memref<1xi32, #tpu.memory_space<smem>>
      memref.store %swap3A_102, %arg18[%swap3A_104] : memref<1xi32, #tpu.memory_space<smem>>
      %dma_wait3A = arith.constant 0 : i32
      %dma_wait3A_106 = tpu.memref_slice %arg7[%dma_wait3A] : memref<20016xf32, #tpu.memory_space<vmem>> -> memref<20000xf32, #tpu.memory_space<vmem>>
      %dma_wait3A_107 = arith.constant 0 : i32
      %dma_wait3A_108 = tpu.memref_slice %arg7[%dma_wait3A_107] : memref<20016xf32, #tpu.memory_space<vmem>> -> memref<20000xf32, #tpu.memory_space<vmem>>
      tpu.wait_dma2 semaphore(%arg19 : memref<!tpu.dma_semaphore, #tpu.memory_space<semaphore_mem>>) src(%arg2 : memref<20000xf32, #tpu.memory_space<hbm>>) dst(%dma_wait3A_108 : memref<20000xf32, #tpu.memory_space<vmem>>)
      %dma_wait3A_109 = arith.constant 0 : i32
      %dma_wait3A_110 = tpu.memref_slice %arg8[%dma_wait3A_109] : memref<5016xf32, #tpu.memory_space<vmem>> -> memref<5000xf32, #tpu.memory_space<vmem>>
      %dma_wait3A_111 = arith.constant 0 : i32
      %dma_wait3A_112 = tpu.memref_slice %arg8[%dma_wait3A_111] : memref<5016xf32, #tpu.memory_space<vmem>> -> memref<5000xf32, #tpu.memory_space<vmem>>
      tpu.wait_dma2 semaphore(%arg20 : memref<!tpu.dma_semaphore, #tpu.memory_space<semaphore_mem>>) src(%arg3 : memref<5000xf32, #tpu.memory_space<hbm>>) dst(%dma_wait3A_112 : memref<5000xf32, #tpu.memory_space<vmem>>)
      %dma_wait3A_113 = arith.constant 0 : i32
      %dma_wait3A_114 = tpu.memref_slice %arg9[%dma_wait3A_113] : memref<5016xi32, #tpu.memory_space<vmem>> -> memref<5000xi32, #tpu.memory_space<vmem>>
      %dma_wait3A_115 = arith.constant 0 : i32
      %dma_wait3A_116 = tpu.memref_slice %arg9[%dma_wait3A_115] : memref<5016xi32, #tpu.memory_space<vmem>> -> memref<5000xi32, #tpu.memory_space<vmem>>
      tpu.wait_dma2 semaphore(%arg21 : memref<!tpu.dma_semaphore, #tpu.memory_space<semaphore_mem>>) src(%arg4 : memref<5000xi32, #tpu.memory_space<hbm>>) dst(%dma_wait3A_116 : memref<5000xi32, #tpu.memory_space<vmem>>)
      %scan3A = arith.constant 0 : i32
      %scan3A_117 = arith.constant 0 : i32
      %scan3A_118 = arith.constant 100 : i32
      %scan3A_119 = arith.addi %scan3A_117, %scan3A_118 : i32
      %scan3A_120 = arith.constant 1 : i32
      scf.for %scan3A_122 = %scan3A_117 to %scan3A_119 step %scan3A_120  : i32 {
        %get3A = arith.constant 0 : i32
        %get3A_123 = arith.index_cast %get3A : i32 to index
        %get3A_124 = memref.load %arg18[%get3A_123] : memref<1xi32, #tpu.memory_space<smem>>
        %lt3A = arith.constant 100 : i32
        %lt3A_125 = arith.cmpi slt, %get3A_124, %lt3A : i32
        %convert_element_type3A_126 = arith.extui %lt3A_125 : i1 to i32
        %cond3A_127 = arith.constant 0 : i32
        %cond3A_128 = arith.cmpi ne, %convert_element_type3A_126, %cond3A_127 : i32
        scf.if %cond3A_128 {
          %scan3A_129 = arith.constant 0 : i32
          %scan3A_130 = arith.constant 50 : i32
          %scan3A_131 = arith.addi %scan3A_129, %scan3A_130 : i32
          %scan3A_132 = arith.constant 1 : i32
          scf.for %scan3A_134 = %scan3A_129 to %scan3A_131 step %scan3A_132  : i32 {
            %mul3A = arith.constant 50 : i32
            %mul3A_135 = arith.muli %scan3A_122, %mul3A : i32
            %add3A = arith.addi %mul3A_135, %scan3A_134 : i32
            %get3A_136 = arith.constant 0 : i32
            %get3A_137 = arith.index_cast %get3A_136 : i32 to index
            %get3A_138 = memref.load %arg17[%get3A_137] : memref<1xi32, #tpu.memory_space<smem>>
            %get3A_139 = arith.constant 0 : i32
            %get3A_140 = arith.index_cast %get3A_139 : i32 to index
            %get3A_141 = memref.load %arg18[%get3A_140] : memref<1xi32, #tpu.memory_space<smem>>
            %lt3A_142 = arith.constant 100 : i32
            %lt3A_143 = arith.cmpi slt, %get3A_141, %lt3A_142 : i32
            %get3A_144 = arith.index_cast %add3A : i32 to index
            %get3A_145 = tpu.vector_load %arg9[%get3A_144] {strides = array<i32>} : memref<5016xi32, #tpu.memory_space<vmem>>, vector<16xi32>,
            %slice3A = vector.extract_strided_slice %get3A_145 {offsets = [0], sizes = [1], strides = [1]} : vector<16xi32> to vector<1xi32>
            %squeeze3A = vector.extract %slice3A[0] : i32 from vector<1xi32>
            %mul3A_146 = arith.constant 4 : i32
            %mul3A_147 = arith.muli %mul3A_146, %squeeze3A : i32
            %get3A_148 = arith.index_cast %mul3A_147 : i32 to index
            %get3A_149 = tpu.vector_load %arg7[%get3A_148] {strides = array<i32>} : memref<20016xf32, #tpu.memory_space<vmem>>, vector<16xf32>,
            %get3A_150 = arith.index_cast %squeeze3A : i32 to index
            %get3A_151 = tpu.vector_load %arg8[%get3A_150] {strides = array<i32>} : memref<5016xf32, #tpu.memory_space<vmem>>, vector<16xf32>,
            %slice3A_152 = vector.extract_strided_slice %get3A_151 {offsets = [0], sizes = [1], strides = [1]} : vector<16xf32> to vector<1xf32>
            %squeeze3A_153 = vector.extract %slice3A_152[0] : f32 from vector<1xf32>
            %broadcast_in_dim3A_154 = arith.constant 0 : i32
            %broadcast_in_dim3A_155 = vector.broadcast %broadcast_in_dim3A_154 : i32 to vector<16x1xi32>
            %gather3A = vector.shape_cast %broadcast_in_dim3A_155 : vector<16x1xi32> to vector<16xi32>
            %gather3A_156 = tpu.dynamic_gather %get3A_149[%gather3A] in [0] : vector<16xf32>, vector<16xi32> -> vector<16xf32>
            %broadcast_in_dim3A_157 = arith.constant 1 : i32
            %broadcast_in_dim3A_158 = vector.broadcast %broadcast_in_dim3A_157 : i32 to vector<16x1xi32>
            %gather3A_159 = vector.shape_cast %broadcast_in_dim3A_158 : vector<16x1xi32> to vector<16xi32>
            %gather3A_160 = tpu.dynamic_gather %get3A_149[%gather3A_159] in [0] : vector<16xf32>, vector<16xi32> -> vector<16xf32>
            %broadcast_in_dim3A_161 = arith.constant 2 : i32
            %broadcast_in_dim3A_162 = vector.broadcast %broadcast_in_dim3A_161 : i32 to vector<16x1xi32>
            %gather3A_163 = vector.shape_cast %broadcast_in_dim3A_162 : vector<16x1xi32> to vector<16xi32>
            %gather3A_164 = tpu.dynamic_gather %get3A_149[%gather3A_163] in [0] : vector<16xf32>, vector<16xi32> -> vector<16xf32>
            %broadcast_in_dim3A_165 = arith.constant 3 : i32
            %broadcast_in_dim3A_166 = vector.broadcast %broadcast_in_dim3A_165 : i32 to vector<16x1xi32>
            %gather3A_167 = vector.shape_cast %broadcast_in_dim3A_166 : vector<16x1xi32> to vector<16xi32>
            %gather3A_168 = tpu.dynamic_gather %get3A_149[%gather3A_167] in [0] : vector<16xf32>, vector<16xi32> -> vector<16xf32>
            %sub3A = arith.subf %gather3A_164, %gather3A_156 : vector<16xf32>
            %sub3A_169 = arith.subf %gather3A_168, %gather3A_160 : vector<16xf32>
            %mul3A_170 = arith.mulf %sub3A, %sub3A_169 : vector<16xf32>
            %add3A_171 = arith.constant 15 : i32
            %add3A_172 = arith.addi %get3A_138, %add3A_171 : i32
            %shift_right_arithmetic3A = arith.constant 4 : i32
            %shift_right_arithmetic3A_173 = arith.shrsi %add3A_172, %shift_right_arithmetic3A : i32
            %jit3A = arith.constant 0 : i32
            %select_n3A = arith.select %lt3A_143, %shift_right_arithmetic3A_173, %jit3A : i32
            %broadcast_in_dim3A_174 = arith.constant -1.000000e+00 : f32
            %broadcast_in_dim3A_175 = vector.broadcast %broadcast_in_dim3A_174 : f32 to vector<16xf32>
            %while3A = arith.constant 0 : i32
            %while3A_176 = arith.subi %select_n3A, %while3A : i32
            %while3A_177 = arith.addi %while3A, %while3A_176 : i32
            %while3A_178 = arith.constant 1 : i32
            %while3A_179 = arith.divsi %while3A_176, %while3A_178 : i32
            %while3A_180 = arith.muli %while3A_179, %while3A_178 : i32
            %while3A_181 = arith.addi %while3A, %while3A_180 : i32
            %while3A_182 = arith.constant 1 : i32
            %while3A_183 = scf.for %while3A_209 = %while3A to %while3A_181 step %while3A_182 iter_args(%while3A_210 = %broadcast_in_dim3A_175) -> (vector<16xf32>)  : i32 {
              %mul3A_211 = arith.constant 16 : i32
              %mul3A_212 = arith.muli %while3A_209, %mul3A_211 : i32
              %get3A_213 = arith.index_cast %mul3A_212 : i32 to index
              %get3A_214 = tpu.vector_load %arg10[%get3A_213] {strides = array<i32>} : memref<5008xf32, #tpu.memory_space<vmem>>, vector<16xf32>,
              %get3A_215 = arith.index_cast %mul3A_212 : i32 to index
              %get3A_216 = tpu.vector_load %arg11[%get3A_215] {strides = array<i32>} : memref<5008xf32, #tpu.memory_space<vmem>>, vector<16xf32>,
              %get3A_217 = arith.index_cast %mul3A_212 : i32 to index
              %get3A_218 = tpu.vector_load %arg12[%get3A_217] {strides = array<i32>} : memref<5008xf32, #tpu.memory_space<vmem>>, vector<16xf32>,
              %get3A_219 = arith.index_cast %mul3A_212 : i32 to index
              %get3A_220 = tpu.vector_load %arg13[%get3A_219] {strides = array<i32>} : memref<5008xf32, #tpu.memory_space<vmem>>, vector<16xf32>,
              %get3A_221 = arith.index_cast %mul3A_212 : i32 to index
              %get3A_222 = tpu.vector_load %arg14[%get3A_221] {strides = array<i32>} : memref<5008xf32, #tpu.memory_space<vmem>>, vector<16xf32>,
              %min3A = arith.minimumf %gather3A_164, %get3A_218 : vector<16xf32>
              %max3A = arith.maximumf %gather3A_156, %get3A_214 : vector<16xf32>
              %sub3A_223 = arith.subf %min3A, %max3A : vector<16xf32>
              %max3A_224 = arith.constant 0.000000e+00 : f32
              %max3A_225 = vector.broadcast %max3A_224 : f32 to vector<16xf32>
              %max3A_226 = arith.maximumf %sub3A_223, %max3A_225 : vector<16xf32>
              %min3A_227 = arith.minimumf %gather3A_168, %get3A_220 : vector<16xf32>
              %max3A_228 = arith.maximumf %gather3A_160, %get3A_216 : vector<16xf32>
              %sub3A_229 = arith.subf %min3A_227, %max3A_228 : vector<16xf32>
              %max3A_230 = arith.constant 0.000000e+00 : f32
              %max3A_231 = vector.broadcast %max3A_230 : f32 to vector<16xf32>
              %max3A_232 = arith.maximumf %sub3A_229, %max3A_231 : vector<16xf32>
              %mul3A_233 = arith.mulf %max3A_226, %max3A_232 : vector<16xf32>
              %add3A_234 = arith.addf %mul3A_170, %get3A_222 : vector<16xf32>
              %sub3A_235 = arith.subf %add3A_234, %mul3A_233 : vector<16xf32>
              %max3A_236 = arith.constant 9.99999971E-10 : f32
              %max3A_237 = vector.broadcast %max3A_236 : f32 to vector<16xf32>
              %max3A_238 = arith.maximumf %sub3A_235, %max3A_237 : vector<16xf32>
              %div3A = arith.divf %mul3A_233, %max3A_238 : vector<16xf32>
              %max3A_239 = arith.maximumf %while3A_210, %div3A : vector<16xf32>
              scf.yield %max3A_239 : vector<16xf32>
            }
            %while3A_184 = arith.constant 1 : i32
            %while3A_185 = scf.for %while3A_209 = %while3A_181 to %while3A_177 step %while3A_184 iter_args(%while3A_210 = %while3A_183) -> (vector<16xf32>)  : i32 {
              %mul3A_211 = arith.constant 16 : i32
              %mul3A_212 = arith.muli %while3A_209, %mul3A_211 : i32
              %get3A_213 = arith.index_cast %mul3A_212 : i32 to index
              %get3A_214 = tpu.vector_load %arg10[%get3A_213] {strides = array<i32>} : memref<5008xf32, #tpu.memory_space<vmem>>, vector<16xf32>,
              %get3A_215 = arith.index_cast %mul3A_212 : i32 to index
              %get3A_216 = tpu.vector_load %arg11[%get3A_215] {strides = array<i32>} : memref<5008xf32, #tpu.memory_space<vmem>>, vector<16xf32>,
              %get3A_217 = arith.index_cast %mul3A_212 : i32 to index
              %get3A_218 = tpu.vector_load %arg12[%get3A_217] {strides = array<i32>} : memref<5008xf32, #tpu.memory_space<vmem>>, vector<16xf32>,
              %get3A_219 = arith.index_cast %mul3A_212 : i32 to index
              %get3A_220 = tpu.vector_load %arg13[%get3A_219] {strides = array<i32>} : memref<5008xf32, #tpu.memory_space<vmem>>, vector<16xf32>,
              %get3A_221 = arith.index_cast %mul3A_212 : i32 to index
              %get3A_222 = tpu.vector_load %arg14[%get3A_221] {strides = array<i32>} : memref<5008xf32, #tpu.memory_space<vmem>>, vector<16xf32>,
              %min3A = arith.minimumf %gather3A_164, %get3A_218 : vector<16xf32>
              %max3A = arith.maximumf %gather3A_156, %get3A_214 : vector<16xf32>
              %sub3A_223 = arith.subf %min3A, %max3A : vector<16xf32>
              %max3A_224 = arith.constant 0.000000e+00 : f32
              %max3A_225 = vector.broadcast %max3A_224 : f32 to vector<16xf32>
              %max3A_226 = arith.maximumf %sub3A_223, %max3A_225 : vector<16xf32>
              %min3A_227 = arith.minimumf %gather3A_168, %get3A_220 : vector<16xf32>
              %max3A_228 = arith.maximumf %gather3A_160, %get3A_216 : vector<16xf32>
              %sub3A_229 = arith.subf %min3A_227, %max3A_228 : vector<16xf32>
              %max3A_230 = arith.constant 0.000000e+00 : f32
              %max3A_231 = vector.broadcast %max3A_230 : f32 to vector<16xf32>
              %max3A_232 = arith.maximumf %sub3A_229, %max3A_231 : vector<16xf32>
              %mul3A_233 = arith.mulf %max3A_226, %max3A_232 : vector<16xf32>
              %add3A_234 = arith.addf %mul3A_170, %get3A_222 : vector<16xf32>
              %sub3A_235 = arith.subf %add3A_234, %mul3A_233 : vector<16xf32>
              %max3A_236 = arith.constant 9.99999971E-10 : f32
              %max3A_237 = vector.broadcast %max3A_236 : f32 to vector<16xf32>
              %max3A_238 = arith.maximumf %sub3A_235, %max3A_237 : vector<16xf32>
              %div3A = arith.divf %mul3A_233, %max3A_238 : vector<16xf32>
              %max3A_239 = arith.maximumf %while3A_210, %div3A : vector<16xf32>
              scf.yield %max3A_239 : vector<16xf32>
            }
            %gt3A = arith.constant 5.000000e-01 : f32
            %gt3A_186 = vector.broadcast %gt3A : f32 to vector<16xf32>
            %gt3A_187 = arith.cmpf ogt, %while3A_185, %gt3A_186 : vector<16xf32>
            %reduce_or3A = arith.constant 1.000000e+00 : f32
            %reduce_or3A_188 = arith.constant 0.000000e+00 : f32
            %reduce_or3A_189 = vector.broadcast %reduce_or3A : f32 to vector<16xf32>
            %reduce_or3A_190 = vector.broadcast %reduce_or3A_188 : f32 to vector<16xf32>
            %reduce_or3A_191 = arith.select %gt3A_187, %reduce_or3A_189, %reduce_or3A_190 : vector<16xi1>, vector<16xf32>
            %reduce_or3A_192 = arith.constant true
            %reduce_or3A_193 = vector.broadcast %reduce_or3A_192 : i1 to vector<16xi1>
            %reduce_or3A_194 = tpu.scan <max>, %reduce_or3A_191 masked %reduce_or3A_193 : vector<16xf32>, vector<16xi1> -> vector<16xf32>
            %reduce_or3A_195 = vector.extract %reduce_or3A_194[15] : f32 from vector<16xf32>
            %reduce_or3A_196 = arith.constant 0.000000e+00 : f32
            %reduce_or3A_197 = arith.cmpf ogt, %reduce_or3A_195, %reduce_or3A_196 : f32
            %not3A = arith.constant true
            %not3A_198 = arith.xori %reduce_or3A_197, %not3A : i1
            %and3A_199 = arith.andi %not3A_198, %lt3A_143 : i1
            %gt3A_200 = arith.constant 5.000000e-02 : f32
            %gt3A_201 = arith.cmpf ogt, %squeeze3A_153, %gt3A_200 : f32
            %and3A_202 = arith.andi %and3A_199, %gt3A_201 : i1
            %convert_element_type3A_203 = arith.extui %and3A_199 : i1 to i32
            %cond3A_204 = arith.constant 0 : i32
            %cond3A_205 = arith.cmpi ne, %convert_element_type3A_203, %cond3A_204 : i32
            scf.if %cond3A_205 {
              %and3A_209 = arith.constant 15 : i32
              %and3A_210 = arith.andi %get3A_138, %and3A_209 : i32
              %eq3A_211 = arith.constant 0 : i32
              %eq3A_212 = arith.cmpi eq, %and3A_210, %eq3A_211 : i32
              %convert_element_type3A_213 = arith.extui %eq3A_212 : i1 to i32
              %cond3A_214 = arith.constant 0 : i32
              %cond3A_215 = arith.cmpi ne, %convert_element_type3A_213, %cond3A_214 : i32
              scf.if %cond3A_215 {
                %swap3A_222 = arith.index_cast %get3A_138 : i32 to index
                %swap3A_223 = tpu.vector_load %arg10[%swap3A_222] {strides = array<i32>} : memref<5008xf32, #tpu.memory_space<vmem>>, vector<16xf32>,
                tpu.vector_store %arg10[%swap3A_222], %broadcast_in_dim3A_15 {strides = array<i32>} : memref<5008xf32, #tpu.memory_space<vmem>>, vector<16xf32>,
                %swap3A_224 = arith.index_cast %get3A_138 : i32 to index
                %swap3A_225 = tpu.vector_load %arg11[%swap3A_224] {strides = array<i32>} : memref<5008xf32, #tpu.memory_space<vmem>>, vector<16xf32>,
                tpu.vector_store %arg11[%swap3A_224], %broadcast_in_dim3A_15 {strides = array<i32>} : memref<5008xf32, #tpu.memory_space<vmem>>, vector<16xf32>,
                %swap3A_226 = arith.index_cast %get3A_138 : i32 to index
                %swap3A_227 = tpu.vector_load %arg12[%swap3A_226] {strides = array<i32>} : memref<5008xf32, #tpu.memory_space<vmem>>, vector<16xf32>,
                tpu.vector_store %arg12[%swap3A_226], %broadcast_in_dim3A_15 {strides = array<i32>} : memref<5008xf32, #tpu.memory_space<vmem>>, vector<16xf32>,
                %swap3A_228 = arith.index_cast %get3A_138 : i32 to index
                %swap3A_229 = tpu.vector_load %arg13[%swap3A_228] {strides = array<i32>} : memref<5008xf32, #tpu.memory_space<vmem>>, vector<16xf32>,
                tpu.vector_store %arg13[%swap3A_228], %broadcast_in_dim3A_15 {strides = array<i32>} : memref<5008xf32, #tpu.memory_space<vmem>>, vector<16xf32>,
                %swap3A_230 = arith.index_cast %get3A_138 : i32 to index
                %swap3A_231 = tpu.vector_load %arg14[%swap3A_230] {strides = array<i32>} : memref<5008xf32, #tpu.memory_space<vmem>>, vector<16xf32>,
                tpu.vector_store %arg14[%swap3A_230], %broadcast_in_dim3A_15 {strides = array<i32>} : memref<5008xf32, #tpu.memory_space<vmem>>, vector<16xf32>,
              } else {
              }
              %broadcast_in_dim3A_216 = vector.broadcast %get3A_138 : i32 to vector<16xi32>
              tpu.vector_store_idx %arg10[%broadcast_in_dim3A_216], %gather3A_156 masked %eq3A_18 : memref<5008xf32, #tpu.memory_space<vmem>>[vector<16xi32>], vector<16xf32>, vector<16xi1>
              tpu.vector_store_idx %arg11[%broadcast_in_dim3A_216], %gather3A_160 masked %eq3A_18 : memref<5008xf32, #tpu.memory_space<vmem>>[vector<16xi32>], vector<16xf32>, vector<16xi1>
              tpu.vector_store_idx %arg12[%broadcast_in_dim3A_216], %gather3A_164 masked %eq3A_18 : memref<5008xf32, #tpu.memory_space<vmem>>[vector<16xi32>], vector<16xf32>, vector<16xi1>
              tpu.vector_store_idx %arg13[%broadcast_in_dim3A_216], %gather3A_168 masked %eq3A_18 : memref<5008xf32, #tpu.memory_space<vmem>>[vector<16xi32>], vector<16xf32>, vector<16xi1>
              tpu.vector_store_idx %arg14[%broadcast_in_dim3A_216], %mul3A_170 masked %eq3A_18 : memref<5008xf32, #tpu.memory_space<vmem>>[vector<16xi32>], vector<16xf32>, vector<16xi1>
              %add3A_217 = arith.constant 1 : i32
              %add3A_218 = arith.addi %get3A_138, %add3A_217 : i32
              %swap3A_219 = arith.constant 0 : i32
              %swap3A_220 = arith.index_cast %swap3A_219 : i32 to index
              %swap3A_221 = memref.load %arg17[%swap3A_220] : memref<1xi32, #tpu.memory_space<smem>>
              memref.store %add3A_218, %arg17[%swap3A_220] : memref<1xi32, #tpu.memory_space<smem>>
            } else {
            }
            %convert_element_type3A_206 = arith.extui %and3A_202 : i1 to i32
            %cond3A_207 = arith.constant 0 : i32
            %cond3A_208 = arith.cmpi ne, %convert_element_type3A_206, %cond3A_207 : i32
            scf.if %cond3A_208 {
              %mul3A_209 = arith.constant 4 : i32
              %mul3A_210 = arith.muli %mul3A_209, %get3A_141 : i32
              %add3A_211 = vector.broadcast %mul3A_210 : i32 to vector<16xi32>
              %add3A_212 = arith.addi %add3A_211, %iota3A : vector<16xi32>
              %lt3A_213 = arith.constant 4 : i32
              %lt3A_214 = vector.broadcast %lt3A_213 : i32 to vector<16xi32>
              %lt3A_215 = arith.cmpi slt, %iota3A, %lt3A_214 : vector<16xi32>
              tpu.vector_store_idx %arg15[%add3A_212], %get3A_149 masked %lt3A_215 : memref<512xf32, #tpu.memory_space<vmem>>[vector<16xi32>], vector<16xf32>, vector<16xi1>
              %broadcast_in_dim3A_216 = vector.broadcast %get3A_141 : i32 to vector<16xi32>
              %broadcast_in_dim3A_217 = vector.broadcast %squeeze3A_153 : f32 to vector<16xf32>
              tpu.vector_store_idx %arg16[%broadcast_in_dim3A_216], %broadcast_in_dim3A_217 masked %eq3A_18 : memref<128xf32, #tpu.memory_space<vmem>>[vector<16xi32>], vector<16xf32>, vector<16xi1>
              %add3A_218 = arith.constant 1 : i32
              %add3A_219 = arith.addi %get3A_141, %add3A_218 : i32
              %swap3A_220 = arith.constant 0 : i32
              %swap3A_221 = arith.index_cast %swap3A_220 : i32 to index
              %swap3A_222 = memref.load %arg18[%swap3A_221] : memref<1xi32, #tpu.memory_space<smem>>
              memref.store %add3A_219, %arg18[%swap3A_221] : memref<1xi32, #tpu.memory_space<smem>>
            } else {
            }
          }
          %scan3A_133 = arith.constant 50 : i32
        } else {
        }
      }
      %scan3A_121 = arith.constant 100 : i32
      "tpu.region"() ({
        %run_scoped3A = tpu.sem_alloc : memref<!tpu.dma_semaphore, #tpu.memory_space<semaphore_mem>>
        tpu.enqueue_dma source(%arg15 : memref<512xf32, #tpu.memory_space<vmem>>) target(%arg5 : memref<512xf32, #tpu.memory_space<hbm>>) target_semaphore(%run_scoped3A : memref<!tpu.dma_semaphore, #tpu.memory_space<semaphore_mem>>)
        tpu.wait_dma2 semaphore(%run_scoped3A : memref<!tpu.dma_semaphore, #tpu.memory_space<semaphore_mem>>) src(%arg15 : memref<512xf32, #tpu.memory_space<vmem>>) dst(%arg5 : memref<512xf32, #tpu.memory_space<hbm>>)
        tpu.yield
      }) : () -> ()
      "tpu.region"() ({
        %run_scoped3A = tpu.sem_alloc : memref<!tpu.dma_semaphore, #tpu.memory_space<semaphore_mem>>
        tpu.enqueue_dma source(%arg16 : memref<128xf32, #tpu.memory_space<vmem>>) target(%arg6 : memref<128xf32, #tpu.memory_space<hbm>>) target_semaphore(%run_scoped3A : memref<!tpu.dma_semaphore, #tpu.memory_space<semaphore_mem>>)
        tpu.wait_dma2 semaphore(%run_scoped3A : memref<!tpu.dma_semaphore, #tpu.memory_space<semaphore_mem>>) src(%arg16 : memref<128xf32, #tpu.memory_space<vmem>>) dst(%arg6 : memref<128xf32, #tpu.memory_space<hbm>>)
        tpu.yield
      }) : () -> ()
    } else {
    }
    return
  }
}

</mosaic_0001>

<sc_bundles>
// kernel: kernel.3.cloned.1.call-start
scs
__scs_entry_jumppad:
0x0: {  	(pc) =	sbr.rel $0x88, $3  }
0x1: {  	(tag) =	ssettag $0x0;
	lr =	simm.s32 $0x1  }
0x2: {  	[smem:$0x3F9F] =	sst lr;
	_ =	strace $0xD0000000  }
0x3: {  	_ = 	snop  }
0x4: {  	_ = 	snop  }
0x5: {  	_ = 	snop  }
0x6: {  	_ = 	snop  }
0x7: {  	_ = 	snop  }
__scs_overlays_trampoline_lowered:
0x8: {  	[smem:$0x3FAE] =	sst s0  }
0x9: {  	[smem:$0x3FAF] =	sst s1  }
0xa: {  	[smem:$0x3FB0] =	sst s2  }
0xb: {  	[smem:$0x3FB1] =	sst s3  }
0xc: {  	[smem:$0x3FB2] =	sst s4  }
0xd: {  	[smem:$0x3FB3] =	sst s5  }
0xe: {  	[smem:$0x3FB4] =	sst s6  }
0xf: {  	[smem:$0x3FB5] =	sst s7  }
0x10: {  	[smem:$0x3FB6] =	sst s8  }
0x11: {  	[smem:$0x3FB7] =	sst s9;
	s0 =	simm.s32 @!p0 $0x0  }
0x12: {  	s1 =	sld [smem:$0x3F9D];
	s0 =	simm.s32 @p0 $0x1  }
0x13: {  	[smem:$0x3FB8] =	sst s0;
	s0 =	simm.s32 @!p1 $0x0  }
0x14: {  	s2 =	sld [smem:$0x3F9C];
	s0 =	simm.s32 @p1 $0x1  }
0x15: {  	[smem:$0x3FB9] =	sst s0;
	s0 =	simm.s32 @!p2 $0x0  }
0x16: {  	s3 =	sld [smem:$0x3FDB];
	s0 =	simm.s32 @p2 $0x1  }
0x17: {  	s4 =	simm.s32 $0x1BF5;
	[smem:$0x3FBB] =	sst s0  }
0x18: {  	s0 =	sld [smem:$0x3F9E];
	_ =	swait.ge [sflag:s4], $0x0  }
0x19: {  	s7 =	sld [smem:$0x3F9F]  }
0x1a: {  	s8 =	sadd.s32 $0xFFFFE003, lr  }
0x1b: {  	s9 =	sadd.s32 $0xFFFFFEF7, lr;
	s5 =	simm.s32 $0xFFFFFFFF;
	p2 =	slt.u32 s8, $0xFFFFF086  }
0x1c: {  	p1 =	slt.u32 s9, $0xF7A;
	s5 =	simm.s32 @!p2 $0x0  }
0x1d: {  	s5 =	simm.s32 @p1 $0x1;
	p0 =	seq.s32 s7, s2  }
0x1e: {  	s7 =	smul.u32 @!p0 $0xF7A, s2;
	p2 =	seq.s32 @!p0 s5, $0x0  }
0x1f: {  	s9 =	smul.u32 $0xF7A, s1;
	s8 =	simm.s32 @!p0 $0x1BF5;
	p2 =	por !p2, p0  }
0x20: {  	[sflag:s8] =	ssyncset.s32 @!p0 $0xFFFFF086;
	s6 =	sadd.s32 @!p0 s3, s7;
	s7 =	simm.s32 @!p0 $0x108  }
0x21: {  	s3 =	sadd.s32 s3, s9;
	s6 =	sadd.s32 @!p0 $0x88, s6;
	s7 =	simm.s32 @p2 $0x1082  }
0x22: {  	[simem:s7], [sflag:s8] =	dma.local @!p0 [hbm:s6], $0xF7A  }
0x23: {  	s9 =	sor.u32 $0xD0000000, s2;
	s6 =	simm.s32 $0x108;
	_ =	swait.ge @!p0 [sflag:s8], $0x0  }
0x24: {  	s3 =	sadd.s32 $0x88, s3;
	s6 =	simm.s32 @!p1 $0x1082;
	[sflag:s4] =	ssyncset.s32 $0xFFFFF086  }
0x25: {  	[simem:s6], [sflag:s4] =	dma.local [hbm:s3], $0xF7A  }
0x26: {  	[smem:$0x3F9F] =	sst s1;
	(tag) =	ssettag s2;
	_ =	strace s9  }
0x27: {  	s1 =	sld [smem:$0x3FAF]  }
0x28: {  	s2 =	sld [smem:$0x3FB0]  }
0x29: {  	s4 =	sld [smem:$0x3FB2]  }
0x2a: {  	p0 =	seq.s32 s5, $0x0;
	s5 =	sld [smem:$0x3FB3]  }
0x2b: {  	s6 =	sld [smem:$0x3FB4]  }
0x2c: {  	s7 =	sld [smem:$0x3FB5]  }
0x2d: {  	s3 =	simm.s32 $0x108;
	s8 =	sld [smem:$0x3FB6]  }
0x2e: {  	s3 =	simm.s32 @!p0 $0x1082;
	s9 =	sld [smem:$0x3FB7]  }
0x2f: {  	lr =	sadd.s32 s0, s3;
	s0 =	sld [smem:$0x3FAE]  }
0x30: {  	s3 =	sld [smem:$0x3FB1]  }
0x31: {  	[smem:$0x3FBA] =	sst s10  }
0x32: {  	s10 =	sld [smem:$0x3FB8];
	_ =	sdelay $0x3  }
0x33: {  	p0 =	seq.s32 s10, $0x1;
	s10 =	sld [smem:$0x3FBA];
	_ =	sdelay $0x3  }
0x34: {  	[smem:$0x3FBA] =	sst s10  }
0x35: {  	s10 =	sld [smem:$0x3FB9];
	_ =	sdelay $0x3  }
0x36: {  	p1 =	seq.s32 s10, $0x1;
	s10 =	sld [smem:$0x3FBA];
	_ =	sdelay $0x3  }
0x37: {  	[smem:$0x3FBA] =	sst s10  }
0x38: {  	s10 =	sld [smem:$0x3FBB]  }
0x39: {  	_ = 	snop;
	(pc) =	sbr.ind lr, $3  }
0x3a: {  	_ = 	snop  }
0x3b: {  	_ = 	snop  }
0x3c: {  	p2 =	seq.s32 s10, $0x1;
	s10 =	sld [smem:$0x3FBA]  }
0x3d: {  	_ =	shalt  }
0x3e: {  	_ =	shalt  }
0x3f: {  	_ =	shalt  }
0x40: {  	_ =	shalt  }
0x41: {  	_ =	shalt  }
0x42: {  	_ =	shalt  }
0x43: {  	_ =	shalt  }
0x44: {  	_ =	shalt  }
0x45: {  	_ =	shalt  }
0x46: {  	_ =	shalt  }
0x47: {  	_ =	shalt  }
0x48: {  	_ =	shalt  }
0x49: {  	_ =	shalt  }
0x4a: {  	_ =	shalt  }
0x4b: {  	_ =	shalt  }
0x4c: {  	_ =	shalt  }
0x4d: {  	_ =	shalt  }
0x4e: {  	_ =	shalt  }
0x4f: {  	_ =	shalt  }
0x50: {  	_ =	shalt  }
0x51: {  	_ =	shalt  }
0x52: {  	_ =	shalt  }
0x53: {  	_ =	shalt  }
0x54: {  	_ =	shalt  }
0x55: {  	_ =	shalt  }
0x56: {  	_ =	shalt  }
0x57: {  	_ =	shalt  }
0x58: {  	_ =	shalt  }
0x59: {  	_ =	shalt  }
0x5a: {  	_ =	shalt  }
0x5b: {  	_ =	shalt  }
0x5c: {  	_ =	shalt  }
0x5d: {  	_ =	shalt  }
0x5e: {  	_ =	shalt  }
0x5f: {  	_ =	shalt  }
0x60: {  	_ =	shalt  }
0x61: {  	_ =	shalt  }
0x62: {  	_ =	shalt  }
0x63: {  	_ =	shalt  }
0x64: {  	_ =	shalt  }
0x65: {  	_ =	shalt  }
0x66: {  	_ =	shalt  }
0x67: {  	_ =	shalt  }
0x68: {  	_ =	shalt  }
0x69: {  	_ =	shalt  }
0x6a: {  	_ =	shalt  }
0x6b: {  	_ =	shalt  }
0x6c: {  	_ =	shalt  }
0x6d: {  	_ =	shalt  }
0x6e: {  	_ =	shalt  }
0x6f: {  	_ =	shalt  }
0x70: {  	_ =	shalt  }
0x71: {  	_ =	shalt  }
0x72: {  	_ =	shalt  }
0x73: {  	_ =	shalt  }
0x74: {  	_ =	shalt  }
0x75: {  	_ =	shalt  }
0x76: {  	_ =	shalt  }
0x77: {  	_ =	shalt  }
0x78: {  	_ =	shalt  }
0x79: {  	_ =	shalt  }
0x7a: {  	_ =	shalt  }
0x7b: {  	_ =	shalt  }
0x7c: {  	_ =	shalt  }
0x7d: {  	_ =	shalt  }
0x7e: {  	_ =	shalt  }
0x7f: {  	_ =	shalt  }
0x80: {  	_ =	shalt  }
0x81: {  	_ =	shalt  }
0x82: {  	_ =	shalt  }
0x83: {  	_ =	shalt  }
0x84: {  	_ =	shalt  }
0x85: {  	_ =	shalt  }
0x86: {  	_ =	shalt  }
0x87: {  	_ =	shalt  }
.Lfunc_end0:
.L_simem_size_0:
called_computation_lowered:
.L_overlay_start_0:
0x88: {  	s0 =	sld [smem:$0x3FD9]  }
0x89: {  	s1 =	sld [smem:$0x3FFE];
	_ =	sdelay $0x3  }
0x8a: {  	s0 =	sadd.s32 s1, s0  }
0x8b: {  	[smem:$0x3FC6] =	sst s0  }
0x8c: {  	_ = 	snop  }
0x8d: {  	s0 =	sld [smem:$0x3FD0];
	_ =	sdelay $0x2  }
0x8e: {  	s2 =	simm.s32 $0xA;
	s3 =	simm.s32 $0x10;
	s13 =	sld [smem:$0x3FC8]  }
0x8f: {  	[smem:s3], [sflag:s2] =	dma.local [hbm:s0], $0x1  }
0x90: {  	_ =	swait.eq [sflag:s2], $0x1  }
0x91: {  	[sflag:s2] =	ssyncset.done $0x0  }
0x92: {  	s14 =	sld [smem:$0x10];
	[sflag:s2] =	ssyncadd.s32 $0xFFFFFFFF  }
0x93: {  	s15 =	sld [smem:$0x11];
	(tm) =	ssettm $0x1  }
0x94: {  	s16 =	sld [smem:$0x3FFB];
	_ =	sdelay $0x3  }
0x95: {  	_ =	strace s16  }
0x96: {  	s3 =	sld [smem:$0x3FFC];
	_ =	sdelay $0x3  }
0x97: {  	_ =	strace s3  }
0x98: {  	s3 =	sld [smem:$0x3FFD];
	_ =	sdelay $0x3  }
0x99: {  	_ =	strace s3  }
0x9a: {  	_ =	strace $0x8FFFFFFF  }
0x9b: {  	s17 =	sld [smem:$0x3FDB];
	_ =	sdelay $0x1  }
0x9c: {  	s4 =	simm.s32 $_scs_section_size  }
0x9d: {  	s5 =	simm.s32 $_size__tile_overlayer_lowered;
	s6 =	simm.s32 $_tile_overlayer_lowered  }
0x9e: {  	s20 =	simm.s32 $0x1BFF;
	s19 =	sshll.u32 s6, $0x1;
	s3 =	sadd.s32 s4, s17  }
0x9f: {  	s7 =	simm.s32 $0x0;
	s18 =	sshll.u32 s5, $0x1;
	s5 =	sadd.s32 s19, s3  }
0xa0: {  	[timem:s7], [sflag:s20] =	dma.local [hbm:s5], s18  }
0xa1: {  	_ =	swait.ge [sflag:s20], s18  }
0xa2: {  	s4 =	ssub.s32 $0x0, s18;
	[sflag:s20] =	ssyncset.done $0x0  }
0xa3: {  	[sflag:s20] =	ssyncadd.s32 s4;
	_ =	sdelay $0x1  }
0xa4: {  	s21 =	simm.s32 $0x1B8B  }
0xa5: {  	_ =	swait.ge [sflag:s21], $0x1  }
0xa6: {  	[sflag:s21] =	ssyncset.done $0x0  }
0xa7: {  	s23 =	simm.s32 $0x1B8E;
	s22 =	sld [smem:$0x3FFE];
	[sflag:s21] =	ssyncadd.s32 $0xFFFFFFFF  }
0xa8: {  	s24 =	simm.s32 $execute0_lowered;
	[smem:$0x3FD2] =	sst s23  }
0xa9: {  	s5 =	sshll.u32 s24, $0x1;
	_ =	strace $0x80000046;
	[dreg:$0x1] =	wrdreg $0xFFFFFFFF  }
0xaa: {  	s25 =	simm.s32 $_size_execute0_lowered;
	s3 =	sadd.s32 s3, s5;
	[dreg:$0x0] =	wrdreg $0x0  }
0xab: {  	s5 =	sshll.u32 s25, $0x1;
	[dreg:$0x2] =	wrdreg s3  }
0xac: {  	[dreg:$0x3] =	wrdreg s5  }
0xad: {  	[dreg:$0x4] =	wrdreg $0xC0  }
0xae: {  	_ =	task [dreg:s7], $0x5FFFF  }
0xaf: {  	[dreg:$0x1] =	wrdreg $0xFFFFFFFF  }
0xb0: {  	[dreg:$0x0] =	wrdreg $0x60  }
0xb1: {  	[dreg:$0x2] =	wrdreg s22  }
0xb2: {  	[dreg:$0x3] =	wrdreg s13  }
0xb3: {  	[dreg:$0x4] =	wrdreg s14  }
0xb4: {  	[dreg:$0x5] =	wrdreg s15  }
0xb5: {  	[dreg:$0x6] =	wrdreg $0x9  }
0xb6: {  	_ =	task.clear_ibuf [dreg:s7], $0x7FFFF;
	_ =	strace $0x90000046  }
0xb7: {  	s26 =	simm.s32 $0x9;
	_ =	strace $0x80000048  }
0xb8: {  	_ =	swait.ge [sflag:s26], $0x1  }
0xb9: {  	[sflag:s26] =	ssyncadd.s32 $0xFFFFFFFF  }
0xba: {  	_ =	strace $0x90000048  }
0xbb: {  	_ =	sfence  }
0xbc: {  	s28 =	sld [smem:$0x0];
	_ =	sdelay $0x1  }
0xbd: {  	s29 =	srdreg.scid  }
0xbe: {  	s30 =	sshll.u32 s29, $0xD;
	s31 =	sshrl.u32 s29, $0x2  }
0xbf: {  	s1 =	sand.u32 $0x1, s29;
	s2 =	sand.u32 $0x4000, s30;
	s0 =	sadd.s32 s31, s28  }
0xc0: {  	s1 =	sor.u32 s2, s1;
	s0 =	sshll.u32 s0, $0x11  }
0xc1: {  	s0 =	sor.u32 s0, s1  }
0xc2: {  	s0 =	sadd.s32 $0x8F2B, s0  }
0xc3: {  	[sflag:s0] =	ssyncadd.remote.s32 $0x1  }
0xc4: {  	_ =	sfence.sel $0xFFFF  }
0xc5: {  	[dreg:$0x0] =	wrdreg $0xFFFFFFFF;
	(pc) =	sbr.abs _section_cstart, $3  }
0xc6: {  	[dreg:$0x1] =	wrdreg $0xFFFFFFFF  }
0xc7: {  	_ =	task.clear_ibuf [dreg:s7], $0x2FFFF;
	_ =	strace $0x9FFFFFFF  }
0xc8: {  	(tm) =	ssettm $0x7FFFFFFF  }
0xc9: {  	_ =	shalt  }
tec
execute0_lowered:
.L_overlay_start_1:
0x0: {  	(tag) =	ssettag $0x1  }
0x1: {  	s3 =	stileid.u32  }
0x2: {  	p0 =	sne.s32 s3, $0x0  }
.Ltmp0:
0x3: {  	s4 =	rddreg [dreg:$0x0];
	(pc) =	sbr.rel @p0 .LBB2_21-.Ltmp0, $4  }
0x4: {  	s5 =	rddreg [dreg:$0x1]  }
0x5: {  	s2 =	rddreg [dreg:$0x2]  }
0x6: {  	s1 =	rddreg [dreg:$0x3]  }
0x7: {  	s0 =	rddreg [dreg:$0x4];
	_ =	strace $0x80000047  }
0x8: {  	s3 =	simm.s32 $0x0  }
0x9: {  	[tilespmem:s3], [sflag:$0x1] =	stream.linear.gather [hbm4b:s4+s3], $0x4E20, $0x38;
	[tilespmem:$0xDD00] =	vst v63  }
0xa: {  	s6 =	simm.s32 $0x4E80  }
0xb: {  	[tilespmem:s6], [sflag:$0x2] =	stream.linear.gather [hbm4b:s5+s3], $0x1388, $0x38;
	[tilespmem:$0xDD00] =	vst v63  }
0xc: {  	s26 =	sadd.s32 $0xE00, s4;
	s28 =	simm.s32 $0x6280  }
0xd: {  	v0 =	vimm.f32 $0.0e+00;
	[tilespmem:s28], [sflag:$0x3] =	stream.linear.gather [hbm4b:s26+s3], $0x1388, $0x38;
	[tilespmem:$0xDD00] =	vst v63  }
0xe: {  	[tilespmem:$0xDA80] =	vst v0  }
0xf: {  	[tilespmem:$0xDA90] =	vst v0  }
0x10: {  	[tilespmem:$0xDAA0] =	vst v0  }
0x11: {  	[tilespmem:$0xDAB0] =	vst v0  }
0x12: {  	[tilespmem:$0xDAC0] =	vst v0  }
0x13: {  	[tilespmem:$0xDAD0] =	vst v0  }
0x14: {  	[tilespmem:$0xDAE0] =	vst v0  }
0x15: {  	[tilespmem:$0xDAF0] =	vst v0  }
0x16: {  	[tilespmem:$0xDB00] =	vst v0  }
0x17: {  	[tilespmem:$0xDB10] =	vst v0  }
0x18: {  	[tilespmem:$0xDB20] =	vst v0  }
0x19: {  	[tilespmem:$0xDB30] =	vst v0  }
0x1a: {  	[tilespmem:$0xDB40] =	vst v0  }
0x1b: {  	[tilespmem:$0xDB50] =	vst v0  }
0x1c: {  	[tilespmem:$0xDB60] =	vst v0  }
0x1d: {  	[tilespmem:$0xDB70] =	vst v0  }
0x1e: {  	[tilespmem:$0xDB80] =	vst v0  }
0x1f: {  	[tilespmem:$0xDB90] =	vst v0  }
0x20: {  	[tilespmem:$0xDBA0] =	vst v0  }
0x21: {  	[tilespmem:$0xDBB0] =	vst v0  }
0x22: {  	[tilespmem:$0xDBC0] =	vst v0  }
0x23: {  	[tilespmem:$0xDBD0] =	vst v0  }
0x24: {  	[tilespmem:$0xDBE0] =	vst v0  }
0x25: {  	[tilespmem:$0xDBF0] =	vst v0  }
0x26: {  	[tilespmem:$0xDC00] =	vst v0  }
0x27: {  	[tilespmem:$0xDC10] =	vst v0  }
0x28: {  	[tilespmem:$0xDC20] =	vst v0  }
0x29: {  	[tilespmem:$0xDC30] =	vst v0  }
0x2a: {  	[tilespmem:$0xDC40] =	vst v0  }
0x2b: {  	[tilespmem:$0xDC50] =	vst v0  }
0x2c: {  	[tilespmem:$0xDC60] =	vst v0  }
0x2d: {  	[tilespmem:$0xDC70] =	vst v0  }
0x2e: {  	[tilespmem:$0xDC80] =	vst v0  }
0x2f: {  	[tilespmem:$0xDC90] =	vst v0  }
0x30: {  	[tilespmem:$0xDCA0] =	vst v0  }
0x31: {  	[tilespmem:$0xDCB0] =	vst v0  }
0x32: {  	[tilespmem:$0xDCC0] =	vst v0  }
0x33: {  	[tilespmem:$0xDCD0] =	vst v0  }
0x34: {  	[smem:$0x0] =	sst s3;
	[tilespmem:$0xDCE0] =	vst v0  }
0x35: {  	s29 =	simm.s32 $0x1;
	[smem:$0x80] =	sst s3;
	[tilespmem:$0xDCF0] =	vst v0  }
0x36: {  	_ =	swait.ge [sflag:s29], $0x4E20  }
0x37: {  	[sflag:s29] =	ssyncset.done $0x0  }
0x38: {  	s30 =	simm.s32 $0x2;
	[sflag:s29] =	ssyncadd.s32 $0xFFFFB1E0  }
0x39: {  	_ =	swait.ge [sflag:s30], $0x1388  }
.Ltmp1:
0x3a: {  	[sflag:s30] =	ssyncset.done $0x0;
	(pc) =	sbr.rel .LBB2_2-.Ltmp1, $4  }
0x3b: {  	s31 =	simm.s32 $0x3;
	[sflag:s30] =	ssyncadd.s32 $0xFFFFEC78  }
0x3c: {  	_ =	swait.ge [sflag:s31], $0x1388  }
0x3d: {  	v1 =	vimm.s32 $0x0;
	[sflag:s31] =	ssyncset.done $0x0  }
0x3e: {  	v2 =	vimm.s32 $0x1;
	v3 =	vimm.s32 $0x2;
	v4 =	vimm.s32 $0x3;
	[sflag:s31] =	ssyncadd.s32 $0xFFFFEC78  }
.LBB2_19:
0x3f: {  	s3 =	sadd.s32 $0x1, s3  }
0x40: {  	p1 =	sne.s32 s3, $0x64  }
.Ltmp2:
0x41: {  	_ = 	snop;
	(pc) =	sbr.rel @!p1 .LBB2_20-.Ltmp2, $1  }
0x42: {  	_ =	sdelay $0x3  }
.LBB2_2:
0x43: {  	s4 =	sld [smem:$0x80];
	_ =	sdelay $0x2  }
0x44: {  	p1 =	sgt.s32 s4, $0x63  }
.Ltmp3:
0x45: {  	_ = 	snop;
	(pc) =	sbr.rel @p1 .LBB2_19-.Ltmp3, $1  }
0x46: {  	_ =	sdelay $0x3  }
0x47: {  	s4 =	smul.u32 $0xC8, s3  }
.Ltmp4:
0x48: {  	_ = 	snop;
	(pc) =	sbr.rel .LBB2_4-.Ltmp4, $4  }
0x49: {  	_ = 	snop  }
0x4a: {  	s4 =	sshra.s32 s4, $0x2  }
0x4b: {  	s5 =	sadd.s32 $0x6280, s4  }
0x4c: {  	s4 =	simm.s32 $0x0;
	v5 =	vmov s5  }
.LBB2_22:
0x4d: {  	v13 =	vpsel p1, $0x0, v0  }
.LBB2_18:
0x4e: {  	(xrf0) =	vmax.scan.msk.f32 $0xffff, v13;
	_ =	sdelay $0x5  }
0x4f: {  	v13, _, _ =	vpop (xrf0)  }
0x50: {  	(v2sf) =	vpush v13, $0xF;
	_ =	sdelay $0xe  }
0x51: {  	s8 =	spop (v2sf)  }
0x52: {  	p1 =	sgt.f32 s8, $0.0e+00;
	_ =	sdelay $0x1  }
0x53: {  	p2 =	slt.s32 s5, $0x64;
	p1 =	por !p1, !p1  }
0x54: {  	p1 =	por !p2, !p1  }
0x55: {  	p1 =	por !p1, !p1  }
0x56: {  	s8 =	sand.u32 @p1 $0xF, s6  }
0x57: {  	p2 =	sne.s32 @p1 s8, $0x0  }
0x58: {  	p3 =	por p2, !p1  }
0x59: {  	v13 =	vimm.f32 @!p3 $0.0e+00  }
0x5a: {  	v14 =	vmov @p1 s6;
	[tilespmem:s6+$0x7680] =	vst @!p3 v13  }
0x5b: {  	[tilespmem:s6+$0x8A80] =	vst @!p3 v13  }
0x5c: {  	p6 =	sgt.f32 s7, $5.000000070e-02;
	[tilespmem:s6+$0x9E80] =	vst @!p3 v13  }
0x5d: {  	[tilespmem:s6+$0xB280] =	vst @!p3 v13  }
0x5e: {  	s7 =	simm.s32 @p1 $0x7680;
	p2 =	por !p6, !p1;
	[tilespmem:s6+$0xC680] =	vst @!p3 v13  }
0x5f: {  	p2 =	por !p2, !p2;
	[tilespmem:v14+s7+$0x0] =	vst.idx.msk @p1 $0x1, v11;
	s7 =	simm.s32 @p1 $0x8A80  }
0x60: {  	p2 =	por !p2, !p1;
	[tilespmem:v14+s7+$0x0] =	vst.idx.msk @p1 $0x1, v10;
	s7 =	simm.s32 @p1 $0x9E80  }
0x61: {  	s8 =	sshll.u32 @!p2 s5, $0x2;
	v13 =	vlaneseq.u32 @!p2;
	[tilespmem:v14+s7+$0x0] =	vst.idx.msk @p1 $0x1, v9;
	s7 =	simm.s32 @p1 $0xB280  }
0x62: {  	s4 =	sadd.s32 $0x1, s4;
	s6 =	sadd.s32 @p1 $0x1, s6;
	v11 =	vadd.s32 @!p2 s8, v13;
	[tilespmem:v14+s7+$0x0] =	vst.idx.msk @p1 $0x1, v8;
	s7 =	simm.s32 @p1 $0xC680  }
0x63: {  	[smem:$0x0] =	sst @p1 s6;
	v10 =	vmov @!p2 s5;
	[tilespmem:v14+s7+$0x0] =	vst.idx.msk @p1 $0x1, v12;
	p1 =	sne.s32 s4, $0x32  }
.Ltmp5:
0x64: {  	_ = 	snop;
	(pc) =	sbr.rel @!p1 .LBB2_19-.Ltmp5, $4  }
0x65: {  	_ = 	snop  }
0x66: {  	s6 =	simm.s32 @!p2 $0xDA80;
	v6 =	vbroadcast @!p2 v6, $0x0  }
0x67: {  	s5 =	sadd.s32 @!p2 $0x1, s5;
	[tilespmem:v11+s6+$0x0] =	vst.idx.msk @!p2 $0xf, v7;
	s6 =	simm.s32 @!p2 $0xDC80  }
0x68: {  	[smem:$0x80] =	sst @!p2 s5;
	[tilespmem:v10+s6+$0x0] =	vst.idx.msk @!p2 $0x1, v6  }
.LBB2_4:
0x69: {  	_ =	sdelay $0x3  }
0x6a: {  	v6 =	vld.idx.msk [tilespmem:v5+s4+$0x0 ss:$0x1], $0xffff;
	_ =	sdelay $0x4  }
0x6b: {  	(v2sf) =	vpush v6, $0x0;
	_ =	sdelay $0xe  }
0x6c: {  	s5 =	spop (v2sf)  }
0x6d: {  	v6 =	vld [tilespmem:s5+$0x4E80];
	_ =	sdelay $0x4  }
0x6e: {  	(v2sf) =	vpush v6, $0x0;
	_ =	sdelay $0x2  }
0x6f: {  	s5 =	sshll.u32 s5, $0x4  }
0x70: {  	s6 =	sld [smem:$0x0];
	s5 =	sshra.s32 s5, $0x2  }
0x71: {  	v7 =	vld [tilespmem:s5+$0x0];
	s5 =	sld [smem:$0x80];
	_ =	sdelay $0x1  }
0x72: {  	s7 =	sadd.s32 $0xF, s6  }
0x73: {  	s8 =	sshra.s32 s7, $0x4;
	p1 =	sgt.s32 s5, $0x63  }
0x74: {  	p2 =	slt.s32 @!p1 s8, $0x1  }
0x75: {  	v11 =	vperm.xlane v7, v1;
	v10 =	vperm.xlane v7, v2;
	p2 =	por p1, p2  }
.Ltmp6:
0x76: {  	v9 =	vperm.xlane v7, v3;
	v8 =	vperm.xlane v7, v4;
	(pc) =	sbr.rel @p2 .LBB2_22-.Ltmp6, $3  }
0x77: {  	_ = 	snop  }
0x78: {  	v12 =	vsub.f32 v9, v11;
	v13 =	vsub.f32 v8, v10;
	_ =	sdelay $0x1  }
0x79: {  	v12 =	vmul.f32 v13, v12;
	s7 =	spop (v2sf)  }
0x7a: {  	p5 =	sgt.s32 s8, $0x1  }
.Ltmp7:
0x7b: {  	s12 =	simm.s32 $0x7680;
	(pc) =	sbr.rel @!p5 .LBB2_6-.Ltmp7, $4  }
0x7c: {  	s13 =	simm.s32 $0xB280;
	v16 =	vld [tilespmem:s12+$0x0]  }
0x7d: {  	s11 =	simm.s32 $0x9E80;
	v17 =	vld [tilespmem:s13+$0x0]  }
0x7e: {  	s10 =	simm.s32 $0x8A80;
	s9 =	simm.s32 $0xC680;
	p1 =	por $0x0, $0x0;
	v14 =	vld [tilespmem:s11+$0x0]  }
0x7f: {  	v13 =	vimm.f32 $-1.000000000e+00;
	p2 =	por $0x0, $0x0;
	p3 =	por $0x0, $0x0;
	p4 =	por $0x0, $0x0;
	v18 =	vld [tilespmem:s10+$0x0]  }
0x80: {  	_ = 	snop  }
0x81: {  	p5 =	sgt.s32 s8, $0x2  }
.Ltmp8:
0x82: {  	v25 =	vld [tilespmem:s9+$0x0];
	s28 =	simm.s32 $0x7690;
	(pc) =	sbr.rel @!p5 .LBB2_8-.Ltmp8, $4  }
0x83: {  	s29 =	simm.s32 $0xB290;
	v15 =	vld [tilespmem:s28+$0x0];
	v16 =	vmax.f32 v11, v16;
	v14 =	vmin.f32 v9, v14  }
0x84: {  	s30 =	simm.s32 $0x9E90;
	v19 =	vld [tilespmem:s29+$0x0];
	v16 =	vsub.f32 v14, v16  }
0x85: {  	s31 =	simm.s32 $0x8A90;
	v17 =	vmin.f32 v8, v17;
	v14 =	vld [tilespmem:s30+$0x0];
	v21 =	vmax.f32 v10, v18  }
0x86: {  	s9 =	simm.s32 $0xC690;
	p1 =	por $0x1, $0x1;
	v18 =	vld [tilespmem:s31+$0x0];
	v24 =	vsub.f32 v17, v21;
	v20 =	vmax.f32 v16, $0.0e+00  }
0x87: {  	_ = 	snop  }
0x88: {  	p5 =	sgt.s32 s8, $0x3  }
.Ltmp9:
0x89: {  	v21 =	vld [tilespmem:s9+$0x0];
	s28 =	simm.s32 $0x76A0;
	(pc) =	sbr.rel @!p5 .LBB2_10-.Ltmp9, $4  }
0x8a: {  	s29 =	simm.s32 $0xB2A0;
	v16 =	vld [tilespmem:s28+$0x0];
	v22 =	vmax.f32 v24, $0.0e+00;
	v23 =	vmax.f32 v11, v15;
	v14 =	vmin.f32 v9, v14  }
0x8b: {  	s30 =	simm.s32 $0x9EA0;
	v24 =	vadd.f32 v25, v12;
	v17 =	vld [tilespmem:s29+$0x0];
	v15 =	vmul.f32 v22, v20;
	v20 =	vsub.f32 v14, v23  }
0x8c: {  	s31 =	simm.s32 $0x8AA0;
	v19 =	vmin.f32 v8, v19;
	v14 =	vld [tilespmem:s30+$0x0];
	v22 =	vmax.f32 v10, v18  }
0x8d: {  	s9 =	simm.s32 $0xC6A0;
	p2 =	por $0x1, $0x1;
	v18 =	vld [tilespmem:s31+$0x0];
	v26 =	vsub.f32 v24, v15;
	v24 =	vsub.f32 v19, v22;
	v20 =	vmax.f32 v20, $0.0e+00  }
0x8e: {  	_ = 	snop  }
0x8f: {  	p5 =	sgt.s32 s8, $0x4  }
.Ltmp10:
0x90: {  	v25 =	vld [tilespmem:s9+$0x0];
	s28 =	simm.s32 $0x76B0;
	v21 =	vadd.f32 v21, v12;
	(pc) =	sbr.rel @!p5 .LBB2_12-.Ltmp10, $4  }
0x91: {  	s29 =	simm.s32 $0xB2B0;
	v22 =	vld [tilespmem:s28+$0x0];
	v19 =	vmax.f32 v24, $0.0e+00;
	v16 =	vmax.f32 v11, v16;
	v14 =	vmin.f32 v9, v14  }
0x92: {  	s30 =	simm.s32 $0x9EB0;
	v23 =	vmax.f32 v26, $9.999999710e-10;
	v28 =	vld [tilespmem:s29+$0x0];
	v19 =	vmul.f32 v19, v20;
	v16 =	vsub.f32 v14, v16  }
0x93: {  	s31 =	simm.s32 $0x8AB0;
	(erf) = vrcp.f32 v23;
	v17 =	vmin.f32 v8, v17;
	v14 =	vld [tilespmem:s30+$0x0];
	v23 =	vmax.f32 v10, v18  }
0x94: {  	s9 =	simm.s32 $0xC6B0;
	p3 =	por $0x1, $0x1;
	v18 =	vld [tilespmem:s31+$0x0];
	v21 =	vsub.f32 v21, v19;
	v24 =	vsub.f32 v17, v23;
	v20 =	vmax.f32 v16, $0.0e+00  }
0x95: {  	_ =	sdelay $0x2  }
0x96: {  	v23 =	vadd.f32 v25, v12;
	p5 =	sgt.s32 s8, $0x5  }
.Ltmp11:
0x97: {  	v25 =	vld [tilespmem:s9+$0x0];
	s10 =	simm.s32 $0x76C0;
	v17 =	vmax.f32 v24, $0.0e+00;
	v24 =	vmax.f32 v11, v22;
	v26 =	vmax.f32 v21, $9.999999710e-10;
	(pc) =	sbr.rel @!p5 .LBB2_14-.Ltmp11, $4  }
0x98: {  	s11 =	simm.s32 $0xB2C0;
	v16 =	vld [tilespmem:s10+$0x0];
	v22 =	vmul.f32 v17, v20;
	(erf) = vrcp.f32 v26;
	v14 =	vmin.f32 v9, v14  }
0x99: {  	s12 =	simm.s32 $0x9EC0;
	v17 =	vld [tilespmem:s11+$0x0];
	v20 =	vsub.f32 v14, v24;
	v24 =	vmin.f32 v8, v28;
	v27 =	vmax.f32 v10, v18  }
0x9a: {  	s13 =	simm.s32 $0x8AC0;
	v14 =	vld [tilespmem:s12+$0x0];
	v26 =	vsub.f32 v23, v22;
	v24 =	vsub.f32 v24, v27;
	v23 =	vpop (erf)  }
0x9b: {  	s14 =	simm.s32 $0x5;
	s9 =	simm.s32 $0xC6C0;
	p4 =	por $0x1, $0x1;
	v18 =	vld [tilespmem:s13+$0x0];
	v28 =	vmovc v19;
	v20 =	vmax.f32 v20, $0.0e+00;
	v27 =	vmul.f32 v23, v15;
	v23 =	vimm.f32 $-1.000000000e+00  }
.LBB2_15:
0x9c: {  	s14 =	sadd.s32 $0x1, s14  }
0x9d: {  	s10 =	sadd.s32 $0x10, s10;
	v29 =	vadd.f32 v25, v12;
	v25 =	vld [tilespmem:s9+$0x0];
	v31 =	vmax.f32 v26, $9.999999710e-10;
	v30 =	vmov v16;
	p5 =	sgt.s32 s8, s14  }
.Ltmp12:
0x9e: {  	s11 =	sadd.s32 $0x10, s11;
	v16 =	vld [tilespmem:s10+$0x0];
	v24 =	vmax.f32 v24, $0.0e+00;
	(erf) = vrcp.f32 v31;
	v23 =	vmax.f32 v23, v27;
	v26 =	vmovc v17;
	(pc) =	sbr.rel @p5 .LBB2_15-.Ltmp12, $4  }
0x9f: {  	s12 =	sadd.s32 $0x10, s12;
	v30 =	vmax.f32 v11, v30;
	v17 =	vld [tilespmem:s11+$0x0];
	v27 =	vmin.f32 v9, v14;
	v31 =	vmul.f32 v24, v20  }
0xa0: {  	s13 =	sadd.s32 $0x10, s13;
	v24 =	vmin.f32 v8, v26;
	v14 =	vld [tilespmem:s12+$0x0];
	v20 =	vsub.f32 v27, v30  }
0xa1: {  	v27 =	vmax.f32 v10, v18;
	v18 =	vld [tilespmem:s13+$0x0];
	v26 =	vsub.f32 v29, v31;
	v29 =	vpop (erf)  }
0xa2: {  	s9 =	sadd.s32 $0x10, s9;
	v24 =	vsub.f32 v24, v27;
	v20 =	vmax.f32 v20, $0.0e+00;
	v27 =	vmul.f32 v29, v28;
	v28 =	vmovc v22;
	v22 =	vmovc v31  }
0xa3: {  	_ = 	snop  }
.LBB2_17:
0xa4: {  	v25 =	vadd.f32 @p1 v25, v12  }
0xa5: {  	v29 =	vld [tilespmem:s9+$0x0];
	v24 =	vmax.f32 @p1 v24, $0.0e+00;
	v16 =	vmax.f32 v11, v16;
	v17 =	vmin.f32 v8, v17  }
0xa6: {  	v14 =	vmin.f32 v9, v14;
	v20 =	vmul.f32 @p1 v24, v20;
	v18 =	vmax.f32 v10, v18  }
0xa7: {  	v14 =	vsub.f32 v14, v16;
	v59 =	vsub.f32 v17, v18  }
0xa8: {  	v17 =	vmax.f32 @p2 v26, $9.999999710e-10;
	v18 =	vsub.f32 @p1 v25, v20  }
0xa9: {  	(erf) = vrcp.f32 @p2 v17;
	v14 =	vmax.f32 v14, $0.0e+00;
	v16 =	vmax.f32 v59, $0.0e+00  }
0xaa: {  	v17 =	vpsel p1, v18, v21;
	v60 =	vadd.f32 v29, v12;
	v14 =	vmul.f32 v16, v14  }
0xab: {  	v16 =	vmax.f32 @p1 v17, $9.999999710e-10  }
0xac: {  	(erf) = vrcp.f32 @p1 v16;
	v61 =	vsub.f32 v60, v14;
	_ =	sdelay $0x1  }
0xad: {  	v16 =	vmax.f32 v61, $9.999999710e-10  }
0xae: {  	(erf) = vrcp.f32 v16;
	_ =	sdelay $0x1  }
0xaf: {  	v21 =	vmax.f32 @p4 v23, v27;
	v18 =	vmov @p1 v20;
	v16 =	vpop @p3 (erf)  }
0xb0: {  	v17 =	vmovc @p2 v22;
	v62 =	vpsel p1, v18, v19;
	v18 =	vpsel p4, v21, v13;
	v16 =	vmul.f32 @p3 v16, v28  }
0xb1: {  	v15 =	vpsel p2, v17, v15;
	v20 =	vpop @p2 (erf)  }
0xb2: {  	v15 =	vmul.f32 @p2 v20, v15;
	v16 =	vpsel p3, v16, v0  }
0xb3: {  	v17 =	vpsel p1, v62, v0;
	v16 =	vmax.f32 @p3 v18, v16;
	v18 =	vpop @p1 (erf)  }
0xb4: {  	v15 =	vpsel p2, v15, v0;
	v16 =	vpsel p3, v16, v13;
	v17 =	vmul.f32 @p1 v18, v17  }
0xb5: {  	v15 =	vmax.f32 @p2 v16, v15  }
0xb6: {  	v15 =	vpsel p2, v15, v13;
	v16 =	vpsel p1, v17, v0;
	v63 =	vpop (erf)  }
.Ltmp13:
0xb7: {  	v15 =	vmax.f32 @p1 v15, v16;
	v14 =	vmul.f32 v63, v14;
	(pc) =	sbr.rel .LBB2_18-.Ltmp13, $4  }
0xb8: {  	v13 =	vpsel p1, v15, v13  }
0xb9: {  	v13 =	vmax.f32 v13, v14  }
0xba: {  	vm0 =	vgt.f32 v13, $5.000000000e-01  }
0xbb: {  	v13 =	vsel vm0, $0x3F800000, v0  }
.LBB2_6:
.Ltmp14:
0xbc: {  	(pc) =	sbr.rel .LBB2_17-.Ltmp14, $2  }
0xbd: {  	_ =	sdelay $0x2  }
0xbe: {  	v23 =	vimm.f32 $-1.000000000e+00  }
.LBB2_8:
.Ltmp15:
0xbf: {  	(pc) =	sbr.rel .LBB2_17-.Ltmp15, $2  }
0xc0: {  	_ =	sdelay $0x2  }
0xc1: {  	v23 =	vimm.f32 $-1.000000000e+00;
	v16 =	vmov v15;
	v17 =	vmov v19  }
.LBB2_10:
.Ltmp16:
0xc2: {  	(pc) =	sbr.rel .LBB2_17-.Ltmp16, $2  }
0xc3: {  	_ =	sdelay $0x2  }
0xc4: {  	v22 =	vmov v15;
	v25 =	vmov v21;
	v23 =	vimm.f32 $-1.000000000e+00  }
.LBB2_12:
.Ltmp17:
0xc5: {  	(pc) =	sbr.rel .LBB2_17-.Ltmp17, $3  }
0xc6: {  	_ =	sdelay $0x1  }
0xc7: {  	v23 =	vimm.f32 $-1.000000000e+00  }
0xc8: {  	v26 =	vmovc v21;
	v16 =	vmovc v22;
	v22 =	vmov v19;
	v17 =	vmov v28;
	v28 =	vmov v15  }
.LBB2_14:
.Ltmp18:
0xc9: {  	(pc) =	sbr.rel .LBB2_17-.Ltmp18, $2  }
0xca: {  	_ =	sdelay $0x2  }
0xcb: {  	v23 =	vimm.f32 $-1.000000000e+00;
	v28 =	vmov v19  }
.LBB2_20:
0xcc: {  	s3 =	simm.s32 $0x0;
	s4 =	simm.s32 $0xDA80;
	s30 =	simm.s32 $0x4  }
0xcd: {  	[hbm4b:s2+s3] =	stream.linear.scatter [tilespmem:s4], [sflag:$0x4], $0x200, $0x38;
	[tilespmem:$0xDD00] =	vst v63  }
0xce: {  	_ =	swait.ge [sflag:s30], $0x200  }
0xcf: {  	[sflag:s30] =	ssyncset.done $0x0  }
0xd0: {  	s31 =	simm.s32 $0xDC80;
	[sflag:s30] =	ssyncadd.s32 $0xFFFFFE00  }
0xd1: {  	[hbm4b:s1+s3] =	stream.linear.scatter [tilespmem:s31], [sflag:$0x4], $0x80, $0x38;
	[tilespmem:$0xDD00] =	vst v63  }
0xd2: {  	_ =	swait.ge [sflag:s30], $0x80  }
0xd3: {  	[sflag:s30] =	ssyncset.done $0x0  }
0xd4: {  	[sflag:s30] =	ssyncadd.s32 $0xFFFFFF80  }
.LBB2_21:
0xd5: {  	_ =	sfence.sel $0x180000  }
0xd6: {  	[bflag:$0x0] =	sbarrier.arrive $0xFFFF  }
0xd7: {  	_ =	strace $0x90000047  }
0xd8: {  	s0 =	sadd.s32 @!p0 $0x100000, s0;
	[bflag:$0x2] =	sbarrier.arrive $0xFFFF  }
0xd9: {  	[sflag:s0] =	ssyncadd.tile.s32 @!p0 $0x1;
	_ =	shalt  }
.Lfunc_end2:
_tile_overlayer_lowered:
.L_overlay_start_2:
0xda: {  	(tag) =	ssettag $0x2  }
0xdb: {  	s0 =	rddreg [dreg:$0x0];
	s2 =	stileid.u32  }
0xdc: {  	s1 =	rddreg [dreg:$0x1];
	p0 =	sne.s32 s2, $0x0  }
0xdd: {  	s3 =	rddreg [dreg:$0x2];
	[bflag:$0x3] =	sbarrier.arrive $0xFFFF;
	s2 =	simm.s32 @!p0 $0x1C04  }
0xde: {  	[timem:s3], [sflag:s2] =	dma.local @!p0 [hbm:s0], s1  }
0xdf: {  	s0 =	simm.s32 @!p0 $0x4  }
0xe0: {  	_ =	swait.ge @!p0 [sflag:s0], s1  }
0xe1: {  	s1 =	ssub.s32 @!p0 $0x0, s1;
	[sflag:s0] =	ssyncset.done @!p0 $0x0  }
0xe2: {  	[sflag:s0] =	ssyncadd.s32 @!p0 s1  }
0xe3: {  	[bflag:$0x3] =	sbarrier.arrive $0xFFFF  }
0xe4: {  	_ =	shalt  }

</sc_bundles>
